<compile_context>
chip_gen: v7x
topology: tpu7x:2x2x1
jax: 0.10.2.dev20260603
libtpu: 0.0.44.dev20260713+nightly
codegen_flags: <defaults>
</compile_context>

<pallas_src>
import functools

import jax
import jax.numpy as jnp
from jax import lax
from jax.experimental import pallas as pl
from jax.experimental.pallas import tpu as pltpu
from jax.experimental.pallas import tpu_sc as plsc

B, T, DIM = 8, 1024, 512
GROUPS = 2
NUM_VARS = 1024
VAR_DIM = DIM // GROUPS
GAMMA = 0.25
EPS_GN = 1e-5
EPS_PPL = 1e-7

SC_NC = 2
SC_NS = 16
SC_NW = SC_NC * SC_NS
ROWS = B * T * GROUPS
CHUNK = 128
CHUNKS_PER_W = ROWS // (SC_NW * CHUNK)


def _tc_body(y_ref, emb2_ref, sqz_ref, sqe_ref, mv_ref, gnw_ref, gnb_ref,
             idx_ref, loss_ref, ppl_ref, hist_ref, acc_ref):
    g = pl.program_id(0)
    b = pl.program_id(1)

    eb2 = emb2_ref[0]
    yb = y_ref[0, 0]
    m = mv_ref[0, b, g]
    v = mv_ref[1, b, g]
    yn = (yb - m) / jnp.sqrt(v + EPS_GN)
    ze = yn * gnw_ref[0] + gnb_ref[0]

    dotm2 = lax.dot_general(eb2, ze, (((1,), (0,)), ((), ())),
                            preferred_element_type=jnp.float32)
    sq_z = sqz_ref[0, 0, 0]
    sq_e = sqe_ref[0, 0]
    d2 = (sq_z[None, :] + dotm2) + sq_e[:, None]
    d2c = jnp.maximum(d2, 0.0)

    d = jnp.sqrt(d2c)
    s = jnp.min(d, axis=0)
    ismin = d == s[None, :]
    iota2 = lax.broadcasted_iota(jnp.int32, (NUM_VARS, T), 0)
    idx = jnp.min(jnp.where(ismin, iota2, NUM_VARS), axis=0)
    idx = idx.astype(jnp.int32)
    md2 = s * s

    idx_ref[0, 0, 0, :] = idx + g * NUM_VARS

    part = jnp.sum(md2)

    @pl.when(jnp.logical_and(g == 0, b == 0))
    def _():
        acc_ref[0] = part

    @pl.when(jnp.logical_not(jnp.logical_and(g == 0, b == 0)))
    def _():
        acc_ref[0] += part

    ones_t = jnp.ones((T, 8), jnp.float32)
    cnt8 = lax.dot_general(ismin.astype(jnp.float32), ones_t,
                           (((1,), (0,)), ((), ())),
                           preferred_element_type=jnp.float32)

    @pl.when(b == 0)
    def _():
        hist_ref[pl.ds(g * NUM_VARS, NUM_VARS), :] = cnt8

    @pl.when(b != 0)
    def _():
        hist_ref[pl.ds(g * NUM_VARS, NUM_VARS), :] += cnt8

    @pl.when(jnp.logical_and(g == GROUPS - 1, b == B - 1))
    def _():
        total = jnp.float32(B * DIM * T)
        loss_ref[:, :] = (acc_ref[0] * (1.0 + GAMMA) / total)[None, None]
        inv = 1.0 / jnp.float32(B * T)
        p0 = hist_ref[pl.ds(0, NUM_VARS), 0:1] * inv
        p1 = hist_ref[pl.ds(NUM_VARS, NUM_VARS), 0:1] * inv
        e0 = jnp.sum(p0 * jnp.log(p0 + EPS_PPL))
        e1 = jnp.sum(p1 * jnp.log(p1 + EPS_PPL))
        ppl_ref[:, :] = (jnp.exp(-e0) + jnp.exp(-e1))[None, None]


def _sc_gather_body(table_hbm, idx_hbm, out_hbm, idx_v, buf0, buf1, sem0, sem1):
    wid = lax.axis_index("s") * SC_NC + lax.axis_index("c")
    chunk0 = wid * CHUNKS_PER_W
    pltpu.sync_copy(idx_hbm.at[pl.ds(chunk0, CHUNKS_PER_W)], idx_v)

    bufs = (buf0, buf1)
    sems = (sem0, sem1)
    cps = [None, None]
    cps[0] = pltpu.async_copy(table_hbm.at[idx_v.at[0]], buf0, sem0)
    cps[1] = pltpu.async_copy(table_hbm.at[idx_v.at[1]], buf1, sem1)
    for j in range(CHUNKS_PER_W):
        k = j % 2
        cps[k].wait()
        row0 = (chunk0 + j) * CHUNK
        pltpu.sync_copy(bufs[k], out_hbm.at[pl.ds(row0, CHUNK)])
        nxt = j + 2
        if nxt < CHUNKS_PER_W:
            cps[k] = pltpu.async_copy(table_hbm.at[idx_v.at[nxt]], bufs[k], sems[k])


def _make_sc_gather():
    return functools.partial(
        pl.kernel,
        out_type=jax.ShapeDtypeStruct((ROWS, VAR_DIM), jnp.float32),
        mesh=plsc.VectorSubcoreMesh(core_axis_name="c", subcore_axis_name="s",
                                    num_cores=SC_NC, num_subcores=SC_NS),
        scratch_types=[
            pltpu.VMEM((CHUNKS_PER_W, CHUNK), jnp.int32),
            pltpu.VMEM((CHUNK, VAR_DIM), jnp.float32),
            pltpu.VMEM((CHUNK, VAR_DIM), jnp.float32),
            pltpu.SemaphoreType.DMA,
            pltpu.SemaphoreType.DMA,
        ],
    )(_sc_gather_body)


def kernel(x, conv_w, gn_w, gn_b, emb):
    emb_t = jnp.transpose(emb, (1, 0, 2))

    xt = jnp.transpose(x, (0, 2, 1))
    xg = xt.reshape(B, GROUPS, VAR_DIM, T)
    wg = conv_w.reshape(GROUPS, VAR_DIM, VAR_DIM)
    y = jnp.einsum('goi,bgit->bgot', wg, xg)
    mean = jnp.mean(y, axis=(2, 3), keepdims=True)
    var = jnp.var(y, axis=(2, 3), keepdims=True)
    yn = (y - mean) / jnp.sqrt(var + EPS_GN)
    yn = yn.reshape(B, DIM, T)
    ze_bct = yn * gn_w[None, :, None] + gn_b[None, :, None]
    ze_ = jnp.transpose(ze_bct.reshape(B, GROUPS, VAR_DIM, T), (0, 3, 1, 2))
    emb_m2 = emb_t * (-2.0)
    sq_z = jnp.sum(ze_ ** 2, axis=-1)
    sq_e = jnp.sum(emb ** 2, axis=-1)
    sq_z4 = jnp.transpose(sq_z, (2, 0, 1)).reshape(GROUPS, B, 1, T)
    sq_e3 = jnp.transpose(sq_e, (1, 0)).reshape(GROUPS, 1, NUM_VARS)

    mv = jnp.stack([mean.reshape(B, GROUPS), var.reshape(B, GROUPS)])
    gnw3 = gn_w.reshape(GROUPS, VAR_DIM, 1)
    gnb3 = gn_b.reshape(GROUPS, VAR_DIM, 1)

    idx4, loss, ppl = pl.pallas_call(
        _tc_body,
        grid=(GROUPS, B),
        in_specs=[
            pl.BlockSpec((1, 1, VAR_DIM, T), lambda g, b: (b, g, 0, 0)),
            pl.BlockSpec((1, NUM_VARS, VAR_DIM), lambda g, b: (g, 0, 0)),
            pl.BlockSpec((1, 1, 1, T), lambda g, b: (g, b, 0, 0)),
            pl.BlockSpec((1, 1, NUM_VARS), lambda g, b: (g, 0, 0)),
            pl.BlockSpec(memory_space=pltpu.SMEM),
            pl.BlockSpec((1, VAR_DIM, 1), lambda g, b: (g, 0, 0)),
            pl.BlockSpec((1, VAR_DIM, 1), lambda g, b: (g, 0, 0)),
        ],
        out_specs=[
            pl.BlockSpec((1, 1, 1, T), lambda g, b: (g, b, 0, 0)),
            pl.BlockSpec((1, 1), lambda g, b: (0, 0)),
            pl.BlockSpec((1, 1), lambda g, b: (0, 0)),
        ],
        out_shape=[
            jax.ShapeDtypeStruct((GROUPS, B, 1, T), jnp.int32),
            jax.ShapeDtypeStruct((1, 1), jnp.float32),
            jax.ShapeDtypeStruct((1, 1), jnp.float32),
        ],
        scratch_shapes=[
            pltpu.VMEM((GROUPS * NUM_VARS, 8), jnp.float32),
            pltpu.SMEM((1,), jnp.float32),
        ],
    )(y, emb_m2, sq_z4, sq_e3, mv, gnw3, gnb3)

    idx_flat = jnp.transpose(idx4.reshape(GROUPS, B, T), (1, 2, 0))
    idx_grid = idx_flat.reshape(ROWS // CHUNK, CHUNK)

    table = emb_t.reshape(GROUPS * NUM_VARS, VAR_DIM)
    zq_rows = _make_sc_gather()(table, idx_grid)
    x_out = zq_rows.reshape(B, T, DIM)

    return x_out, loss.reshape(()), ppl.reshape(())

# --- scband reference (transcript-rebuilt; emitter-appended) ---
"""Pipeline reference for scband-kmeans-vector-quantizer-27779848470626 (READ-ONLY COPY).

The authoritative reference and input builder live on the scoring server;
editing this copy changes nothing except your own understanding.
"""

import jax, jax.numpy as jnp
import numpy as np

B, T, DIM = 8, 1024, 512
GROUPS = 2
NUM_VARS = 1024
VQ_DIM = 512
VAR_DIM = VQ_DIM // GROUPS
GAMMA = 0.25


def setup_inputs(seed: int = 0) -> dict:
    key = jax.random.key(seed)
    k1, k2, k3 = jax.random.split(key, 3)
    x = jax.random.normal(k1, (B, T, DIM), dtype=jnp.float32)
    # grouped 1x1 conv weight: torch shape [dim, dim//groups, 1] -> squeeze kernel dim
    conv_w = jax.random.normal(k2, (DIM, DIM // GROUPS), dtype=jnp.float32) * (1.0 / np.sqrt(DIM // GROUPS))
    gn_w = jnp.ones((DIM,), dtype=jnp.float32)
    gn_b = jnp.zeros((DIM,), dtype=jnp.float32)
    emb = 0.01 * jax.random.normal(k3, (NUM_VARS, GROUPS, VAR_DIM), dtype=jnp.float32)
    return {"x": x, "conv_w": conv_w, "gn_w": gn_w, "gn_b": gn_b, "emb": emb}


def _forward(x, conv_w, gn_w, gn_b, emb):
    # time_first=True -> transpose to B, C, T
    xt = jnp.transpose(x, (0, 2, 1))
    # grouped 1x1 conv (kernel_size=1, groups=GROUPS, no bias) == per-group matmul
    xg = xt.reshape(B, GROUPS, DIM // GROUPS, T)
    wg = conv_w.reshape(GROUPS, DIM // GROUPS, DIM // GROUPS)
    y = jnp.einsum('goi,bgit->bgot', wg, xg)
    # Fp32GroupNorm(groups=GROUPS, dim) with eps=1e-5, affine
    mean = jnp.mean(y, axis=(2, 3), keepdims=True)
    var = jnp.var(y, axis=(2, 3), keepdims=True)
    yn = (y - mean) / jnp.sqrt(var + 1e-5)
    yn = yn.reshape(B, DIM, T)
    ze = yn * gn_w[None, :, None] + gn_b[None, :, None]
    # ze_: [B, T, G, D]
    ze_ = jnp.transpose(ze.reshape(B, GROUPS, VAR_DIM, T), (0, 3, 1, 2))
    # pairwise L2 distances d[v, b, t, g] = ||ze_[b,t,g] - emb[v,g]||_2
    # computed via ||a||^2 - 2 a.b + ||b||^2 (same math as norm of difference)
    sq_z = jnp.sum(ze_ ** 2, axis=-1)
    sq_e = jnp.sum(emb ** 2, axis=-1)
    dot = jnp.einsum('btgd,vgd->vbtg', ze_, emb)
    d2 = sq_z[None, ...] - 2.0 * dot + sq_e[:, None, None, :]
    d = jnp.sqrt(jnp.clip(d2, 0.0, None))
    idx = jnp.argmin(d, axis=0)  # [B, T, G]
    zq_groups = [jnp.take(emb[:, g, :], idx[..., g], axis=0) for g in range(GROUPS)]
    zq = jnp.stack(zq_groups, axis=-2).reshape(B, T, GROUPS * VAR_DIM)
    zq = jnp.transpose(zq, (0, 2, 1))  # [B, C, T]
    # straight-through estimator
    x_out = jax.lax.stop_gradient(zq) + (ze - jax.lax.stop_gradient(ze))
    # code perplexity (no-grad stats)
    onehot = jax.nn.one_hot(idx.reshape(-1), NUM_VARS, dtype=jnp.float32).reshape(B * T, GROUPS, NUM_VARS)
    hard_probs = jnp.mean(onehot, axis=0)
    code_perplexity = jnp.sum(jnp.exp(-jnp.sum(hard_probs * jnp.log(hard_probs + 1e-7), axis=-1)))
    # time_first=True -> transpose back
    x_out = jnp.transpose(x_out, (0, 2, 1))
    latent_loss = jnp.mean((zq - jax.lax.stop_gradient(ze)) ** 2)
    commitment_loss = jnp.mean((ze - jax.lax.stop_gradient(zq)) ** 2)
    kmeans_loss = latent_loss + GAMMA * commitment_loss
    return x_out, kmeans_loss, code_perplexity


def reference(x, conv_w, gn_w, gn_b, emb):
    return _forward(x, conv_w, gn_w, gn_b, emb)

if __name__ == "__main__":
    import jax
    _d = setup_inputs()
    print(jax.jit(kernel)(*tuple(_d.values())))

</pallas_src>

<mosaic_0001>
#map = affine_map<(d0, d1) -> (0, 0)>
module attributes {stable_mosaic.version = 14 : i64} {
  func.func @_sc_gather_body(%arg0: i32, %arg1: i32, %arg2: memref<2048x256xf32, #tpu.memory_space<hbm>>, %arg3: memref<128x128xi32, #tpu.memory_space<hbm>>, %arg4: memref<16384x256xf32, #tpu.memory_space<hbm>>, %arg5: memref<4x128xi32, #tpu.memory_space<vmem>>, %arg6: memref<128x256xf32, #tpu.memory_space<vmem>>, %arg7: memref<128x256xf32, #tpu.memory_space<vmem>>, %arg8: memref<!tpu.dma_semaphore, #tpu.memory_space<semaphore_mem>>, %arg9: memref<!tpu.dma_semaphore, #tpu.memory_space<semaphore_mem>>) attributes {dimension_semantics = [#tpu.dimension_semantics<core_parallel>, #tpu.dimension_semantics<subcore_parallel>], iteration_bounds = array<i64: 2, 16>, scalar_prefetch = 0 : i64, scratch_operands = 5 : i64, tpu.core_type = #tpu.core_type<sc_vector_subcore>, window_params = [{transform_indices = #map}, {transform_indices = #map}, {transform_indices = #map}]} {
    %mul3A = arith.constant 2 : i32
    %mul3A_0 = arith.muli %arg1, %mul3A : i32
    %add3A = arith.addi %mul3A_0, %arg0 : i32
    %mul3A_1 = arith.constant 4 : i32
    %mul3A_2 = arith.muli %add3A, %mul3A_1 : i32
    "tpu.region"() ({
      %run_scoped3A = tpu.sem_alloc : memref<!tpu.dma_semaphore, #tpu.memory_space<semaphore_mem>>
      %dma_start3A_73 = arith.constant 0 : i32
      %dma_start3A_74 = tpu.memref_slice %arg3[%mul3A_2, %dma_start3A_73] : memref<128x128xi32, #tpu.memory_space<hbm>> -> memref<4x128xi32, #tpu.memory_space<hbm>>
      %dma_start3A_75 = arith.constant 0 : i32
      %dma_start3A_76 = tpu.memref_slice %arg3[%mul3A_2, %dma_start3A_75] : memref<128x128xi32, #tpu.memory_space<hbm>> -> memref<4x128xi32, #tpu.memory_space<hbm>>
      tpu.enqueue_dma source(%dma_start3A_76 : memref<4x128xi32, #tpu.memory_space<hbm>>) target(%arg5 : memref<4x128xi32, #tpu.memory_space<vmem>>) target_semaphore(%run_scoped3A : memref<!tpu.dma_semaphore, #tpu.memory_space<semaphore_mem>>)
      %dma_wait3A_77 = arith.constant 0 : i32
      %dma_wait3A_78 = tpu.memref_slice %arg3[%mul3A_2, %dma_wait3A_77] : memref<128x128xi32, #tpu.memory_space<hbm>> -> memref<4x128xi32, #tpu.memory_space<hbm>>
      %dma_wait3A_79 = arith.constant 0 : i32
      %dma_wait3A_80 = tpu.memref_slice %arg3[%mul3A_2, %dma_wait3A_79] : memref<128x128xi32, #tpu.memory_space<hbm>> -> memref<4x128xi32, #tpu.memory_space<hbm>>
      tpu.wait_dma2 semaphore(%run_scoped3A : memref<!tpu.dma_semaphore, #tpu.memory_space<semaphore_mem>>) src(%dma_wait3A_80 : memref<4x128xi32, #tpu.memory_space<hbm>>) dst(%arg5 : memref<4x128xi32, #tpu.memory_space<vmem>>)
      tpu.yield
    }) : () -> ()
    %dma_start3A = arith.constant 0 : i32
    %dma_start3A_3 = arith.constant 0 : i32
    %dma_start3A_4 = tpu.memref_slice %arg5[%dma_start3A, %dma_start3A_3] : memref<4x128xi32, #tpu.memory_space<vmem>> -> memref<1x128xi32, #tpu.memory_space<vmem>>
    %dma_start3A_5 = tpu.memref_squeeze %dma_start3A_4 : memref<1x128xi32, #tpu.memory_space<vmem>> -> memref<128xi32, #tpu.memory_space<vmem>>
    %dma_start3A_6 = arith.constant 0 : i32
    %dma_start3A_7 = arith.constant 0 : i32
    %dma_start3A_8 = tpu.memref_slice %arg2[%dma_start3A_6, %dma_start3A_7] : memref<2048x256xf32, #tpu.memory_space<hbm>> -> memref<2048x256xf32, #tpu.memory_space<hbm>>
    tpu.enqueue_indirect_dma source(%dma_start3A_8 : memref<2048x256xf32, #tpu.memory_space<hbm>>) target(%arg6 : memref<128x256xf32, #tpu.memory_space<vmem>>) offsets(%dma_start3A_5 : memref<128xi32, #tpu.memory_space<vmem>>) semaphore(%arg8 : memref<!tpu.dma_semaphore, #tpu.memory_space<semaphore_mem>>)
    %dma_start3A_9 = arith.constant 1 : i32
    %dma_start3A_10 = arith.constant 0 : i32
    %dma_start3A_11 = tpu.memref_slice %arg5[%dma_start3A_9, %dma_start3A_10] : memref<4x128xi32, #tpu.memory_space<vmem>> -> memref<1x128xi32, #tpu.memory_space<vmem>>
    %dma_start3A_12 = tpu.memref_squeeze %dma_start3A_11 : memref<1x128xi32, #tpu.memory_space<vmem>> -> memref<128xi32, #tpu.memory_space<vmem>>
    %dma_start3A_13 = arith.constant 0 : i32
    %dma_start3A_14 = arith.constant 0 : i32
    %dma_start3A_15 = tpu.memref_slice %arg2[%dma_start3A_13, %dma_start3A_14] : memref<2048x256xf32, #tpu.memory_space<hbm>> -> memref<2048x256xf32, #tpu.memory_space<hbm>>
    tpu.enqueue_indirect_dma source(%dma_start3A_15 : memref<2048x256xf32, #tpu.memory_space<hbm>>) target(%arg7 : memref<128x256xf32, #tpu.memory_space<vmem>>) offsets(%dma_start3A_12 : memref<128xi32, #tpu.memory_space<vmem>>) semaphore(%arg9 : memref<!tpu.dma_semaphore, #tpu.memory_space<semaphore_mem>>)
    %dma_wait3A = arith.constant 0 : i32
    %dma_wait3A_16 = arith.constant 0 : i32
    %dma_wait3A_17 = tpu.memref_slice %arg5[%dma_wait3A, %dma_wait3A_16] : memref<4x128xi32, #tpu.memory_space<vmem>> -> memref<1x128xi32, #tpu.memory_space<vmem>>
    %dma_wait3A_18 = tpu.memref_squeeze %dma_wait3A_17 : memref<1x128xi32, #tpu.memory_space<vmem>> -> memref<128xi32, #tpu.memory_space<vmem>>
    %dma_wait3A_19 = arith.constant 0 : i32
    %dma_wait3A_20 = arith.constant 0 : i32
    %dma_wait3A_21 = tpu.memref_slice %arg2[%dma_wait3A_19, %dma_wait3A_20] : memref<2048x256xf32, #tpu.memory_space<hbm>> -> memref<2048x256xf32, #tpu.memory_space<hbm>>
    tpu.wait_indirect_dma semaphore(%arg8 : memref<!tpu.dma_semaphore, #tpu.memory_space<semaphore_mem>>) src(%dma_wait3A_21 : memref<2048x256xf32, #tpu.memory_space<hbm>>) dst(%arg6 : memref<128x256xf32, #tpu.memory_space<vmem>>)
    %add3A_22 = arith.constant 0 : i32
    %add3A_23 = arith.addi %mul3A_2, %add3A_22 : i32
    %mul3A_24 = arith.constant 128 : i32
    %mul3A_25 = arith.muli %add3A_23, %mul3A_24 : i32
    "tpu.region"() ({
      %run_scoped3A = tpu.sem_alloc : memref<!tpu.dma_semaphore, #tpu.memory_space<semaphore_mem>>
      %dma_start3A_73 = arith.constant 0 : i32
      %dma_start3A_74 = tpu.memref_slice %arg4[%mul3A_25, %dma_start3A_73] : memref<16384x256xf32, #tpu.memory_space<hbm>> -> memref<128x256xf32, #tpu.memory_space<hbm>>
      %dma_start3A_75 = arith.constant 0 : i32
      %dma_start3A_76 = tpu.memref_slice %arg4[%mul3A_25, %dma_start3A_75] : memref<16384x256xf32, #tpu.memory_space<hbm>> -> memref<128x256xf32, #tpu.memory_space<hbm>>
      tpu.enqueue_dma source(%arg6 : memref<128x256xf32, #tpu.memory_space<vmem>>) target(%dma_start3A_76 : memref<128x256xf32, #tpu.memory_space<hbm>>) target_semaphore(%run_scoped3A : memref<!tpu.dma_semaphore, #tpu.memory_space<semaphore_mem>>)
      %dma_wait3A_77 = arith.constant 0 : i32
      %dma_wait3A_78 = tpu.memref_slice %arg4[%mul3A_25, %dma_wait3A_77] : memref<16384x256xf32, #tpu.memory_space<hbm>> -> memref<128x256xf32, #tpu.memory_space<hbm>>
      %dma_wait3A_79 = arith.constant 0 : i32
      %dma_wait3A_80 = tpu.memref_slice %arg4[%mul3A_25, %dma_wait3A_79] : memref<16384x256xf32, #tpu.memory_space<hbm>> -> memref<128x256xf32, #tpu.memory_space<hbm>>
      tpu.wait_dma2 semaphore(%run_scoped3A : memref<!tpu.dma_semaphore, #tpu.memory_space<semaphore_mem>>) src(%arg6 : memref<128x256xf32, #tpu.memory_space<vmem>>) dst(%dma_wait3A_80 : memref<128x256xf32, #tpu.memory_space<hbm>>)
      tpu.yield
    }) : () -> ()
    %dma_start3A_26 = arith.constant 2 : i32
    %dma_start3A_27 = arith.constant 0 : i32
    %dma_start3A_28 = tpu.memref_slice %arg5[%dma_start3A_26, %dma_start3A_27] : memref<4x128xi32, #tpu.memory_space<vmem>> -> memref<1x128xi32, #tpu.memory_space<vmem>>
    %dma_start3A_29 = tpu.memref_squeeze %dma_start3A_28 : memref<1x128xi32, #tpu.memory_space<vmem>> -> memref<128xi32, #tpu.memory_space<vmem>>
    %dma_start3A_30 = arith.constant 0 : i32
    %dma_start3A_31 = arith.constant 0 : i32
    %dma_start3A_32 = tpu.memref_slice %arg2[%dma_start3A_30, %dma_start3A_31] : memref<2048x256xf32, #tpu.memory_space<hbm>> -> memref<2048x256xf32, #tpu.memory_space<hbm>>
    tpu.enqueue_indirect_dma source(%dma_start3A_32 : memref<2048x256xf32, #tpu.memory_space<hbm>>) target(%arg6 : memref<128x256xf32, #tpu.memory_space<vmem>>) offsets(%dma_start3A_29 : memref<128xi32, #tpu.memory_space<vmem>>) semaphore(%arg8 : memref<!tpu.dma_semaphore, #tpu.memory_space<semaphore_mem>>)
    %dma_wait3A_33 = arith.constant 1 : i32
    %dma_wait3A_34 = arith.constant 0 : i32
    %dma_wait3A_35 = tpu.memref_slice %arg5[%dma_wait3A_33, %dma_wait3A_34] : memref<4x128xi32, #tpu.memory_space<vmem>> -> memref<1x128xi32, #tpu.memory_space<vmem>>
    %dma_wait3A_36 = tpu.memref_squeeze %dma_wait3A_35 : memref<1x128xi32, #tpu.memory_space<vmem>> -> memref<128xi32, #tpu.memory_space<vmem>>
    %dma_wait3A_37 = arith.constant 0 : i32
    %dma_wait3A_38 = arith.constant 0 : i32
    %dma_wait3A_39 = tpu.memref_slice %arg2[%dma_wait3A_37, %dma_wait3A_38] : memref<2048x256xf32, #tpu.memory_space<hbm>> -> memref<2048x256xf32, #tpu.memory_space<hbm>>
    tpu.wait_indirect_dma semaphore(%arg9 : memref<!tpu.dma_semaphore, #tpu.memory_space<semaphore_mem>>) src(%dma_wait3A_39 : memref<2048x256xf32, #tpu.memory_space<hbm>>) dst(%arg7 : memref<128x256xf32, #tpu.memory_space<vmem>>)
    %add3A_40 = arith.constant 1 : i32
    %add3A_41 = arith.addi %mul3A_2, %add3A_40 : i32
    %mul3A_42 = arith.constant 128 : i32
    %mul3A_43 = arith.muli %add3A_41, %mul3A_42 : i32
    "tpu.region"() ({
      %run_scoped3A = tpu.sem_alloc : memref<!tpu.dma_semaphore, #tpu.memory_space<semaphore_mem>>
      %dma_start3A_73 = arith.constant 0 : i32
      %dma_start3A_74 = tpu.memref_slice %arg4[%mul3A_43, %dma_start3A_73] : memref<16384x256xf32, #tpu.memory_space<hbm>> -> memref<128x256xf32, #tpu.memory_space<hbm>>
      %dma_start3A_75 = arith.constant 0 : i32
      %dma_start3A_76 = tpu.memref_slice %arg4[%mul3A_43, %dma_start3A_75] : memref<16384x256xf32, #tpu.memory_space<hbm>> -> memref<128x256xf32, #tpu.memory_space<hbm>>
      tpu.enqueue_dma source(%arg7 : memref<128x256xf32, #tpu.memory_space<vmem>>) target(%dma_start3A_76 : memref<128x256xf32, #tpu.memory_space<hbm>>) target_semaphore(%run_scoped3A : memref<!tpu.dma_semaphore, #tpu.memory_space<semaphore_mem>>)
      %dma_wait3A_77 = arith.constant 0 : i32
      %dma_wait3A_78 = tpu.memref_slice %arg4[%mul3A_43, %dma_wait3A_77] : memref<16384x256xf32, #tpu.memory_space<hbm>> -> memref<128x256xf32, #tpu.memory_space<hbm>>
      %dma_wait3A_79 = arith.constant 0 : i32
      %dma_wait3A_80 = tpu.memref_slice %arg4[%mul3A_43, %dma_wait3A_79] : memref<16384x256xf32, #tpu.memory_space<hbm>> -> memref<128x256xf32, #tpu.memory_space<hbm>>
      tpu.wait_dma2 semaphore(%run_scoped3A : memref<!tpu.dma_semaphore, #tpu.memory_space<semaphore_mem>>) src(%arg7 : memref<128x256xf32, #tpu.memory_space<vmem>>) dst(%dma_wait3A_80 : memref<128x256xf32, #tpu.memory_space<hbm>>)
      tpu.yield
    }) : () -> ()
    %dma_start3A_44 = arith.constant 3 : i32
    %dma_start3A_45 = arith.constant 0 : i32
    %dma_start3A_46 = tpu.memref_slice %arg5[%dma_start3A_44, %dma_start3A_45] : memref<4x128xi32, #tpu.memory_space<vmem>> -> memref<1x128xi32, #tpu.memory_space<vmem>>
    %dma_start3A_47 = tpu.memref_squeeze %dma_start3A_46 : memref<1x128xi32, #tpu.memory_space<vmem>> -> memref<128xi32, #tpu.memory_space<vmem>>
    %dma_start3A_48 = arith.constant 0 : i32
    %dma_start3A_49 = arith.constant 0 : i32
    %dma_start3A_50 = tpu.memref_slice %arg2[%dma_start3A_48, %dma_start3A_49] : memref<2048x256xf32, #tpu.memory_space<hbm>> -> memref<2048x256xf32, #tpu.memory_space<hbm>>
    tpu.enqueue_indirect_dma source(%dma_start3A_50 : memref<2048x256xf32, #tpu.memory_space<hbm>>) target(%arg7 : memref<128x256xf32, #tpu.memory_space<vmem>>) offsets(%dma_start3A_47 : memref<128xi32, #tpu.memory_space<vmem>>) semaphore(%arg9 : memref<!tpu.dma_semaphore, #tpu.memory_space<semaphore_mem>>)
    %dma_wait3A_51 = arith.constant 2 : i32
    %dma_wait3A_52 = arith.constant 0 : i32
    %dma_wait3A_53 = tpu.memref_slice %arg5[%dma_wait3A_51, %dma_wait3A_52] : memref<4x128xi32, #tpu.memory_space<vmem>> -> memref<1x128xi32, #tpu.memory_space<vmem>>
    %dma_wait3A_54 = tpu.memref_squeeze %dma_wait3A_53 : memref<1x128xi32, #tpu.memory_space<vmem>> -> memref<128xi32, #tpu.memory_space<vmem>>
    %dma_wait3A_55 = arith.constant 0 : i32
    %dma_wait3A_56 = arith.constant 0 : i32
    %dma_wait3A_57 = tpu.memref_slice %arg2[%dma_wait3A_55, %dma_wait3A_56] : memref<2048x256xf32, #tpu.memory_space<hbm>> -> memref<2048x256xf32, #tpu.memory_space<hbm>>
    tpu.wait_indirect_dma semaphore(%arg8 : memref<!tpu.dma_semaphore, #tpu.memory_space<semaphore_mem>>) src(%dma_wait3A_57 : memref<2048x256xf32, #tpu.memory_space<hbm>>) dst(%arg6 : memref<128x256xf32, #tpu.memory_space<vmem>>)
    %add3A_58 = arith.constant 2 : i32
    %add3A_59 = arith.addi %mul3A_2, %add3A_58 : i32
    %mul3A_60 = arith.constant 128 : i32
    %mul3A_61 = arith.muli %add3A_59, %mul3A_60 : i32
    "tpu.region"() ({
      %run_scoped3A = tpu.sem_alloc : memref<!tpu.dma_semaphore, #tpu.memory_space<semaphore_mem>>
      %dma_start3A_73 = arith.constant 0 : i32
      %dma_start3A_74 = tpu.memref_slice %arg4[%mul3A_61, %dma_start3A_73] : memref<16384x256xf32, #tpu.memory_space<hbm>> -> memref<128x256xf32, #tpu.memory_space<hbm>>
      %dma_start3A_75 = arith.constant 0 : i32
      %dma_start3A_76 = tpu.memref_slice %arg4[%mul3A_61, %dma_start3A_75] : memref<16384x256xf32, #tpu.memory_space<hbm>> -> memref<128x256xf32, #tpu.memory_space<hbm>>
      tpu.enqueue_dma source(%arg6 : memref<128x256xf32, #tpu.memory_space<vmem>>) target(%dma_start3A_76 : memref<128x256xf32, #tpu.memory_space<hbm>>) target_semaphore(%run_scoped3A : memref<!tpu.dma_semaphore, #tpu.memory_space<semaphore_mem>>)
      %dma_wait3A_77 = arith.constant 0 : i32
      %dma_wait3A_78 = tpu.memref_slice %arg4[%mul3A_61, %dma_wait3A_77] : memref<16384x256xf32, #tpu.memory_space<hbm>> -> memref<128x256xf32, #tpu.memory_space<hbm>>
      %dma_wait3A_79 = arith.constant 0 : i32
      %dma_wait3A_80 = tpu.memref_slice %arg4[%mul3A_61, %dma_wait3A_79] : memref<16384x256xf32, #tpu.memory_space<hbm>> -> memref<128x256xf32, #tpu.memory_space<hbm>>
      tpu.wait_dma2 semaphore(%run_scoped3A : memref<!tpu.dma_semaphore, #tpu.memory_space<semaphore_mem>>) src(%arg6 : memref<128x256xf32, #tpu.memory_space<vmem>>) dst(%dma_wait3A_80 : memref<128x256xf32, #tpu.memory_space<hbm>>)
      tpu.yield
    }) : () -> ()
    %dma_wait3A_62 = arith.constant 3 : i32
    %dma_wait3A_63 = arith.constant 0 : i32
    %dma_wait3A_64 = tpu.memref_slice %arg5[%dma_wait3A_62, %dma_wait3A_63] : memref<4x128xi32, #tpu.memory_space<vmem>> -> memref<1x128xi32, #tpu.memory_space<vmem>>
    %dma_wait3A_65 = tpu.memref_squeeze %dma_wait3A_64 : memref<1x128xi32, #tpu.memory_space<vmem>> -> memref<128xi32, #tpu.memory_space<vmem>>
    %dma_wait3A_66 = arith.constant 0 : i32
    %dma_wait3A_67 = arith.constant 0 : i32
    %dma_wait3A_68 = tpu.memref_slice %arg2[%dma_wait3A_66, %dma_wait3A_67] : memref<2048x256xf32, #tpu.memory_space<hbm>> -> memref<2048x256xf32, #tpu.memory_space<hbm>>
    tpu.wait_indirect_dma semaphore(%arg9 : memref<!tpu.dma_semaphore, #tpu.memory_space<semaphore_mem>>) src(%dma_wait3A_68 : memref<2048x256xf32, #tpu.memory_space<hbm>>) dst(%arg7 : memref<128x256xf32, #tpu.memory_space<vmem>>)
    %add3A_69 = arith.constant 3 : i32
    %add3A_70 = arith.addi %mul3A_2, %add3A_69 : i32
    %mul3A_71 = arith.constant 128 : i32
    %mul3A_72 = arith.muli %add3A_70, %mul3A_71 : i32
    "tpu.region"() ({
      %run_scoped3A = tpu.sem_alloc : memref<!tpu.dma_semaphore, #tpu.memory_space<semaphore_mem>>
      %dma_start3A_73 = arith.constant 0 : i32
      %dma_start3A_74 = tpu.memref_slice %arg4[%mul3A_72, %dma_start3A_73] : memref<16384x256xf32, #tpu.memory_space<hbm>> -> memref<128x256xf32, #tpu.memory_space<hbm>>
      %dma_start3A_75 = arith.constant 0 : i32
      %dma_start3A_76 = tpu.memref_slice %arg4[%mul3A_72, %dma_start3A_75] : memref<16384x256xf32, #tpu.memory_space<hbm>> -> memref<128x256xf32, #tpu.memory_space<hbm>>
      tpu.enqueue_dma source(%arg7 : memref<128x256xf32, #tpu.memory_space<vmem>>) target(%dma_start3A_76 : memref<128x256xf32, #tpu.memory_space<hbm>>) target_semaphore(%run_scoped3A : memref<!tpu.dma_semaphore, #tpu.memory_space<semaphore_mem>>)
      %dma_wait3A_77 = arith.constant 0 : i32
      %dma_wait3A_78 = tpu.memref_slice %arg4[%mul3A_72, %dma_wait3A_77] : memref<16384x256xf32, #tpu.memory_space<hbm>> -> memref<128x256xf32, #tpu.memory_space<hbm>>
      %dma_wait3A_79 = arith.constant 0 : i32
      %dma_wait3A_80 = tpu.memref_slice %arg4[%mul3A_72, %dma_wait3A_79] : memref<16384x256xf32, #tpu.memory_space<hbm>> -> memref<128x256xf32, #tpu.memory_space<hbm>>
      tpu.wait_dma2 semaphore(%run_scoped3A : memref<!tpu.dma_semaphore, #tpu.memory_space<semaphore_mem>>) src(%arg7 : memref<128x256xf32, #tpu.memory_space<vmem>>) dst(%dma_wait3A_80 : memref<128x256xf32, #tpu.memory_space<hbm>>)
      tpu.yield
    }) : () -> ()
    return
  }
}

module attributes {stable_mosaic.version = 14 : i64} {
  func.func @_tc_body(%arg0: i32, %arg1: i32, %arg2: memref<1x1x256x1024xf32, #tpu.memory_space<vmem>>, %arg3: memref<1x1024x256xf32, #tpu.memory_space<vmem>>, %arg4: memref<1x1x1x1024xf32, #tpu.memory_space<vmem>>, %arg5: memref<1x1x1024xf32, #tpu.memory_space<vmem>>, %arg6: memref<2x8x2xf32, #tpu.memory_space<smem>>, %arg7: memref<1x256x1xf32, #tpu.memory_space<vmem>>, %arg8: memref<1x256x1xf32, #tpu.memory_space<vmem>>, %arg9: memref<1x1x1x1024xi32, #tpu.memory_space<vmem>>, %arg10: memref<1x1xf32, #tpu.memory_space<vmem>>, %arg11: memref<1x1xf32, #tpu.memory_space<vmem>>, %arg12: memref<2048x8xf32, #tpu.memory_space<vmem>>, %arg13: memref<1xf32, #tpu.memory_space<smem>>) attributes {dimension_semantics = [#tpu.dimension_semantics<arbitrary>, #tpu.dimension_semantics<arbitrary>], iteration_bounds = array<i64: 2, 8>, scalar_prefetch = 0 : i64, scratch_operands = 2 : i64, tpu.core_type = #tpu.core_type<tc>, window_params = [{transform_indices = @transform_0, window_bounds = array<i64: 1, 1, 256, 1024>}, {transform_indices = @transform_1, window_bounds = array<i64: 1, 1024, 256>}, {transform_indices = @transform_2, window_bounds = array<i64: 1, 1, 1, 1024>}, {transform_indices = @transform_3, window_bounds = array<i64: 1, 1, 1024>}, {transform_indices = @transform_4, window_bounds = array<i64: 2, 8, 2>}, {transform_indices = @transform_5, window_bounds = array<i64: 1, 256, 1>}, {transform_indices = @transform_6, window_bounds = array<i64: 1, 256, 1>}, {transform_indices = @transform_7, window_bounds = array<i64: 1, 1, 1, 1024>}, {pipeline_mode = #tpu.pipeline_mode<synchronous>, transform_indices = @transform_8, window_bounds = array<i64: 1, 1>}, {pipeline_mode = #tpu.pipeline_mode<synchronous>, transform_indices = @transform_9, window_bounds = array<i64: 1, 1>}]} {
    %get3A = arith.constant 0 : index
    %get3A_0 = arith.constant 0 : index
    %get3A_1 = arith.constant 0 : index
    %get3A_2 = vector.load %arg3[%get3A, %get3A_0, %get3A_1] : memref<1x1024x256xf32, #tpu.memory_space<vmem>>, vector<1x1024x256xf32>
    %get3A_3 = vector.shape_cast %get3A_2 : vector<1x1024x256xf32> to vector<1024x256xf32>
    %get3A_4 = arith.constant 0 : index
    %get3A_5 = arith.constant 0 : index
    %get3A_6 = arith.constant 0 : index
    %get3A_7 = arith.constant 0 : index
    %get3A_8 = vector.load %arg2[%get3A_4, %get3A_5, %get3A_6, %get3A_7] : memref<1x1x256x1024xf32, #tpu.memory_space<vmem>>, vector<1x1x256x1024xf32>
    %get3A_9 = vector.shape_cast %get3A_8 : vector<1x1x256x1024xf32> to vector<256x1024xf32>
    %get3A_10 = arith.constant 0 : index
    %get3A_11 = arith.index_cast %arg1 : i32 to index
    %get3A_12 = arith.index_cast %arg0 : i32 to index
    %get3A_13 = memref.load %arg6[%get3A_10, %get3A_11, %get3A_12] : memref<2x8x2xf32, #tpu.memory_space<smem>>
    %get3A_14 = arith.constant 1 : index
    %get3A_15 = arith.index_cast %arg1 : i32 to index
    %get3A_16 = arith.index_cast %arg0 : i32 to index
    %get3A_17 = memref.load %arg6[%get3A_14, %get3A_15, %get3A_16] : memref<2x8x2xf32, #tpu.memory_space<smem>>
    %sub3A = vector.broadcast %get3A_13 : f32 to vector<256x1024xf32>
    %sub3A_18 = arith.subf %get3A_9, %sub3A : vector<256x1024xf32>
    %add3A = arith.constant 9.99999974E-6 : f32
    %add3A_19 = arith.addf %get3A_17, %add3A : f32
    %sqrt3A = math.sqrt %add3A_19 : f32
    %div3A = vector.broadcast %sqrt3A : f32 to vector<256x1024xf32>
    %div3A_20 = arith.divf %sub3A_18, %div3A : vector<256x1024xf32>
    %get3A_21 = arith.constant 0 : index
    %get3A_22 = arith.constant 0 : index
    %get3A_23 = arith.constant 0 : index
    %get3A_24 = vector.load %arg7[%get3A_21, %get3A_22, %get3A_23] : memref<1x256x1xf32, #tpu.memory_space<vmem>>, vector<1x256x1xf32>
    %get3A_25 = vector.shape_cast %get3A_24 : vector<1x256x1xf32> to vector<256x1xf32>
    %mul3A = vector.broadcast %get3A_25 : vector<256x1xf32> to vector<256x1024xf32>
    %mul3A_26 = arith.mulf %div3A_20, %mul3A : vector<256x1024xf32>
    %get3A_27 = arith.constant 0 : index
    %get3A_28 = arith.constant 0 : index
    %get3A_29 = arith.constant 0 : index
    %get3A_30 = vector.load %arg8[%get3A_27, %get3A_28, %get3A_29] : memref<1x256x1xf32, #tpu.memory_space<vmem>>, vector<1x256x1xf32>
    %get3A_31 = vector.shape_cast %get3A_30 : vector<1x256x1xf32> to vector<256x1xf32>
    %add3A_32 = vector.broadcast %get3A_31 : vector<256x1xf32> to vector<256x1024xf32>
    %add3A_33 = arith.addf %mul3A_26, %add3A_32 : vector<256x1024xf32>
    %dot_general3A = arith.constant dense<0.000000e+00> : vector<1024x1024xf32>
    %dot_general3A_34 = tpu.matmul %get3A_3, %add3A_33, %dot_general3A {dimension_numbers = #tpu.dot_dimension_numbers<[1], [0], [0], [1], [0, 0, 1, 1], [], []>, transpose_lhs_hint = false} : vector<1024x256xf32>, vector<256x1024xf32>, vector<1024x1024xf32> -> vector<1024x1024xf32>
    %get3A_35 = arith.constant 0 : index
    %get3A_36 = arith.constant 0 : index
    %get3A_37 = arith.constant 0 : index
    %get3A_38 = arith.constant 0 : index
    %get3A_39 = vector.load %arg4[%get3A_35, %get3A_36, %get3A_37, %get3A_38] : memref<1x1x1x1024xf32, #tpu.memory_space<vmem>>, vector<1x1x1x1024xf32>
    %get3A_40 = vector.shape_cast %get3A_39 : vector<1x1x1x1024xf32> to vector<1024xf32>
    %get3A_41 = arith.constant 0 : index
    %get3A_42 = arith.constant 0 : index
    %get3A_43 = arith.constant 0 : index
    %get3A_44 = vector.load %arg5[%get3A_41, %get3A_42, %get3A_43] : memref<1x1x1024xf32, #tpu.memory_space<vmem>>, vector<1x1x1024xf32>
    %get3A_45 = vector.shape_cast %get3A_44 : vector<1x1x1024xf32> to vector<1024xf32>
    %broadcast_in_dim3A = vector.shape_cast %get3A_40 : vector<1024xf32> to vector<1x1024xf32>
    %add3A_46 = vector.broadcast %broadcast_in_dim3A : vector<1x1024xf32> to vector<1024x1024xf32>
    %add3A_47 = arith.addf %add3A_46, %dot_general3A_34 : vector<1024x1024xf32>
    %broadcast_in_dim3A_48 = vector.shape_cast %get3A_45 : vector<1024xf32> to vector<1024x1xf32>
    %add3A_49 = vector.broadcast %broadcast_in_dim3A_48 : vector<1024x1xf32> to vector<1024x1024xf32>
    %add3A_50 = arith.addf %add3A_47, %add3A_49 : vector<1024x1024xf32>
    %max3A = arith.constant 0.000000e+00 : f32
    %max3A_51 = vector.broadcast %max3A : f32 to vector<1024x1024xf32>
    %max3A_52 = arith.maximumf %add3A_50, %max3A_51 : vector<1024x1024xf32>
    %sqrt3A_53 = math.sqrt %max3A_52 : vector<1024x1024xf32>
    %reduce_min3A = arith.constant dense<0x7F800000> : vector<1024xf32>
    %reduce_min3A_54 = vector.multi_reduction <minimumf>, %sqrt3A_53, %reduce_min3A [0] : vector<1024x1024xf32> to vector<1024xf32>
    %broadcast_in_dim3A_55 = vector.shape_cast %reduce_min3A_54 : vector<1024xf32> to vector<1x1024xf32>
    %eq3A = vector.broadcast %broadcast_in_dim3A_55 : vector<1x1024xf32> to vector<1024x1024xf32>
    %eq3A_56 = arith.cmpf oeq, %sqrt3A_53, %eq3A : vector<1024x1024xf32>
    %iota3A = tpu.iota {dimensions = array<i32: 0>} : vector<1024x1024xi32>
    %jit3A = arith.constant 1024 : i32
    %broadcast_in_dim3A_57 = vector.broadcast %jit3A : i32 to vector<1024x1024xi32>
    %select_n3A = arith.select %eq3A_56, %iota3A, %broadcast_in_dim3A_57 : vector<1024x1024xi1>, vector<1024x1024xi32>
    %reduce_min3A_58 = arith.constant dense<2147483647> : vector<1024xi32>
    %reduce_min3A_59 = vector.multi_reduction <minsi>, %select_n3A, %reduce_min3A_58 [0] : vector<1024x1024xi32> to vector<1024xi32>
    %mul3A_60 = arith.mulf %reduce_min3A_54, %reduce_min3A_54 : vector<1024xf32>
    %mul3A_61 = arith.constant 1024 : i32
    %mul3A_62 = arith.muli %arg0, %mul3A_61 : i32
    %add3A_63 = vector.broadcast %mul3A_62 : i32 to vector<1024xi32>
    %add3A_64 = arith.addi %reduce_min3A_59, %add3A_63 : vector<1024xi32>
    %swap3A = arith.constant 0 : index
    %swap3A_65 = arith.constant 0 : index
    %swap3A_66 = arith.constant 0 : index
    %swap3A_67 = arith.constant 0 : index
    %swap3A_68 = vector.load %arg9[%swap3A, %swap3A_65, %swap3A_66, %swap3A_67] : memref<1x1x1x1024xi32, #tpu.memory_space<vmem>>, vector<1x1x1x1024xi32>
    %swap3A_69 = vector.shape_cast %swap3A_68 : vector<1x1x1x1024xi32> to vector<1024xi32>
    %swap3A_70 = vector.shape_cast %add3A_64 : vector<1024xi32> to vector<1x1x1x1024xi32>
    tpu.vector_store %arg9[%swap3A, %swap3A_65, %swap3A_66, %swap3A_67], %swap3A_70 {strides = array<i32>} : memref<1x1x1x1024xi32, #tpu.memory_space<vmem>>, vector<1x1x1x1024xi32>,
    %reduce_sum3A = vector.shape_cast %mul3A_60 : vector<1024xf32> to vector<1x1024xf32>
    %reduce_sum3A_71 = arith.constant dense<0.000000e+00> : vector<1xf32>
    %reduce_sum3A_72 = vector.multi_reduction <add>, %reduce_sum3A, %reduce_sum3A_71 [1] : vector<1x1024xf32> to vector<1xf32>
    %reduce_sum3A_73 = vector.shape_cast %reduce_sum3A_72 : vector<1xf32> to vector<1x1xf32>
    %reduce_sum3A_74 = vector.extract %reduce_sum3A_73[0, 0] : f32 from vector<1x1xf32>
    %eq3A_75 = arith.constant 0 : i32
    %eq3A_76 = arith.cmpi eq, %arg0, %eq3A_75 : i32
    %eq3A_77 = arith.constant 0 : i32
    %eq3A_78 = arith.cmpi eq, %arg1, %eq3A_77 : i32
    %and3A = arith.andi %eq3A_76, %eq3A_78 : i1
    %convert_element_type3A = arith.extui %and3A : i1 to i32
    %cond3A = arith.constant 0 : i32
    %cond3A_79 = arith.cmpi ne, %convert_element_type3A, %cond3A : i32
    scf.if %cond3A_79 {
      %swap3A_112 = arith.constant 0 : index
      %swap3A_113 = memref.load %arg13[%swap3A_112] : memref<1xf32, #tpu.memory_space<smem>>
      memref.store %reduce_sum3A_74, %arg13[%swap3A_112] : memref<1xf32, #tpu.memory_space<smem>>
    } else {
    }
    %eq3A_80 = arith.constant 0 : i32
    %eq3A_81 = arith.cmpi eq, %arg0, %eq3A_80 : i32
    %eq3A_82 = arith.constant 0 : i32
    %eq3A_83 = arith.cmpi eq, %arg1, %eq3A_82 : i32
    %and3A_84 = arith.andi %eq3A_81, %eq3A_83 : i1
    %not3A = arith.constant true
    %not3A_85 = arith.xori %and3A_84, %not3A : i1
    %convert_element_type3A_86 = arith.extui %not3A_85 : i1 to i32
    %cond3A_87 = arith.constant 0 : i32
    %cond3A_88 = arith.cmpi ne, %convert_element_type3A_86, %cond3A_87 : i32
    scf.if %cond3A_88 {
      %get3A_112 = arith.constant 0 : index
      %get3A_113 = memref.load %arg13[%get3A_112] : memref<1xf32, #tpu.memory_space<smem>>
      %add3A_114 = arith.addf %get3A_113, %reduce_sum3A_74 : f32
      %swap3A_115 = arith.constant 0 : index
      %swap3A_116 = memref.load %arg13[%swap3A_115] : memref<1xf32, #tpu.memory_space<smem>>
      memref.store %add3A_114, %arg13[%swap3A_115] : memref<1xf32, #tpu.memory_space<smem>>
    } else {
    }
    %broadcast_in_dim3A_89 = arith.constant 1.000000e+00 : f32
    %broadcast_in_dim3A_90 = vector.broadcast %broadcast_in_dim3A_89 : f32 to vector<1024x8xf32>
    %convert_element_type3A_91 = arith.extui %eq3A_56 : vector<1024x1024xi1> to vector<1024x1024xi32>
    %convert_element_type3A_92 = arith.sitofp %convert_element_type3A_91 : vector<1024x1024xi32> to vector<1024x1024xf32>
    %dot_general3A_93 = arith.constant dense<0.000000e+00> : vector<1024x8xf32>
    %dot_general3A_94 = tpu.matmul %convert_element_type3A_92, %broadcast_in_dim3A_90, %dot_general3A_93 {dimension_numbers = #tpu.dot_dimension_numbers<[1], [0], [0], [1], [0, 0, 1, 1], [], []>, transpose_lhs_hint = false} : vector<1024x1024xf32>, vector<1024x8xf32>, vector<1024x8xf32> -> vector<1024x8xf32>
    %eq3A_95 = arith.constant 0 : i32
    %eq3A_96 = arith.cmpi eq, %arg1, %eq3A_95 : i32
    %convert_element_type3A_97 = arith.extui %eq3A_96 : i1 to i32
    %cond3A_98 = arith.constant 0 : i32
    %cond3A_99 = arith.cmpi ne, %convert_element_type3A_97, %cond3A_98 : i32
    scf.if %cond3A_99 {
      %mul3A_112 = arith.constant 1024 : i32
      %mul3A_113 = arith.muli %arg0, %mul3A_112 : i32
      %swap3A_114 = arith.index_cast %mul3A_113 : i32 to index
      %swap3A_115 = arith.constant 0 : index
      %swap3A_116 = vector.load %arg12[%swap3A_114, %swap3A_115] : memref<2048x8xf32, #tpu.memory_space<vmem>>, vector<1024x8xf32>
      tpu.vector_store %arg12[%swap3A_114, %swap3A_115], %dot_general3A_94 {strides = array<i32>} : memref<2048x8xf32, #tpu.memory_space<vmem>>, vector<1024x8xf32>,
    } else {
    }
    %ne3A = arith.constant 0 : i32
    %ne3A_100 = arith.cmpi ne, %arg1, %ne3A : i32
    %convert_element_type3A_101 = arith.extui %ne3A_100 : i1 to i32
    %cond3A_102 = arith.constant 0 : i32
    %cond3A_103 = arith.cmpi ne, %convert_element_type3A_101, %cond3A_102 : i32
    scf.if %cond3A_103 {
      %mul3A_112 = arith.constant 1024 : i32
      %mul3A_113 = arith.muli %arg0, %mul3A_112 : i32
      %get3A_114 = arith.index_cast %mul3A_113 : i32 to index
      %get3A_115 = arith.constant 0 : index
      %get3A_116 = vector.load %arg12[%get3A_114, %get3A_115] : memref<2048x8xf32, #tpu.memory_space<vmem>>, vector<1024x8xf32>
      %add3A_117 = arith.addf %get3A_116, %dot_general3A_94 : vector<1024x8xf32>
      %swap3A_118 = arith.index_cast %mul3A_113 : i32 to index
      %swap3A_119 = arith.constant 0 : index
      %swap3A_120 = vector.load %arg12[%swap3A_118, %swap3A_119] : memref<2048x8xf32, #tpu.memory_space<vmem>>, vector<1024x8xf32>
      tpu.vector_store %arg12[%swap3A_118, %swap3A_119], %add3A_117 {strides = array<i32>} : memref<2048x8xf32, #tpu.memory_space<vmem>>, vector<1024x8xf32>,
    } else {
    }
    %eq3A_104 = arith.constant 1 : i32
    %eq3A_105 = arith.cmpi eq, %arg0, %eq3A_104 : i32
    %eq3A_106 = arith.constant 7 : i32
    %eq3A_107 = arith.cmpi eq, %arg1, %eq3A_106 : i32
    %and3A_108 = arith.andi %eq3A_105, %eq3A_107 : i1
    %convert_element_type3A_109 = arith.extui %and3A_108 : i1 to i32
    %cond3A_110 = arith.constant 0 : i32
    %cond3A_111 = arith.cmpi ne, %convert_element_type3A_109, %cond3A_110 : i32
    scf.if %cond3A_111 {
      %get3A_112 = arith.constant 0 : index
      %get3A_113 = memref.load %arg13[%get3A_112] : memref<1xf32, #tpu.memory_space<smem>>
      %mul3A_114 = arith.constant 1.250000e+00 : f32
      %mul3A_115 = arith.mulf %get3A_113, %mul3A_114 : f32
      %div3A_116 = arith.constant 0x4A800000 : f32
      %div3A_117 = arith.divf %mul3A_115, %div3A_116 : f32
      %broadcast_in_dim3A_118 = vector.broadcast %div3A_117 : f32 to vector<1x1xf32>
      %swap3A_119 = arith.constant 0 : index
      %swap3A_120 = arith.constant 0 : index
      %swap3A_121 = vector.load %arg10[%swap3A_119, %swap3A_120] : memref<1x1xf32, #tpu.memory_space<vmem>>, vector<1x1xf32>
      tpu.vector_store %arg10[%swap3A_119, %swap3A_120], %broadcast_in_dim3A_118 {strides = array<i32>} : memref<1x1xf32, #tpu.memory_space<vmem>>, vector<1x1xf32>,
      %div3A_122 = arith.constant 1.000000e+00 : f32
      %div3A_123 = arith.constant 8.192000e+03 : f32
      %div3A_124 = arith.divf %div3A_122, %div3A_123 : f32
      %get3A_125 = arith.constant 0 : index
      %get3A_126 = arith.constant 0 : index
      %get3A_127 = vector.load %arg12[%get3A_125, %get3A_126] : memref<2048x8xf32, #tpu.memory_space<vmem>>, vector<1024x1xf32>
      %mul3A_128 = vector.broadcast %div3A_124 : f32 to vector<1024x1xf32>
      %mul3A_129 = arith.mulf %get3A_127, %mul3A_128 : vector<1024x1xf32>
      %get3A_130 = arith.constant 1024 : index
      %get3A_131 = arith.constant 0 : index
      %get3A_132 = vector.load %arg12[%get3A_130, %get3A_131] : memref<2048x8xf32, #tpu.memory_space<vmem>>, vector<1024x1xf32>
      %mul3A_133 = vector.broadcast %div3A_124 : f32 to vector<1024x1xf32>
      %mul3A_134 = arith.mulf %get3A_132, %mul3A_133 : vector<1024x1xf32>
      %add3A_135 = arith.constant 1.000000e-07 : f32
      %add3A_136 = vector.broadcast %add3A_135 : f32 to vector<1024x1xf32>
      %add3A_137 = arith.addf %mul3A_129, %add3A_136 : vector<1024x1xf32>
      %log3A = math.log %add3A_137 : vector<1024x1xf32>
      %mul3A_138 = arith.mulf %mul3A_129, %log3A : vector<1024x1xf32>
      %reduce_sum3A_139 = vector.shape_cast %mul3A_138 : vector<1024x1xf32> to vector<1x1024x1xf32>
      %reduce_sum3A_140 = arith.constant dense<0.000000e+00> : vector<1xf32>
      %reduce_sum3A_141 = vector.multi_reduction <add>, %reduce_sum3A_139, %reduce_sum3A_140 [1, 2] : vector<1x1024x1xf32> to vector<1xf32>
      %reduce_sum3A_142 = vector.shape_cast %reduce_sum3A_141 : vector<1xf32> to vector<1x1x1xf32>
      %reduce_sum3A_143 = vector.extract %reduce_sum3A_142[0, 0, 0] : f32 from vector<1x1x1xf32>
      %add3A_144 = arith.constant 1.000000e-07 : f32
      %add3A_145 = vector.broadcast %add3A_144 : f32 to vector<1024x1xf32>
      %add3A_146 = arith.addf %mul3A_134, %add3A_145 : vector<1024x1xf32>
      %log3A_147 = math.log %add3A_146 : vector<1024x1xf32>
      %mul3A_148 = arith.mulf %mul3A_134, %log3A_147 : vector<1024x1xf32>
      %reduce_sum3A_149 = vector.shape_cast %mul3A_148 : vector<1024x1xf32> to vector<1x1024x1xf32>
      %reduce_sum3A_150 = arith.constant dense<0.000000e+00> : vector<1xf32>
      %reduce_sum3A_151 = vector.multi_reduction <add>, %reduce_sum3A_149, %reduce_sum3A_150 [1, 2] : vector<1x1024x1xf32> to vector<1xf32>
      %reduce_sum3A_152 = vector.shape_cast %reduce_sum3A_151 : vector<1xf32> to vector<1x1x1xf32>
      %reduce_sum3A_153 = vector.extract %reduce_sum3A_152[0, 0, 0] : f32 from vector<1x1x1xf32>
      %neg3A = arith.constant 0.000000e+00 : f32
      %neg3A_154 = arith.subf %neg3A, %reduce_sum3A_143 : f32
      %exp3A = math.exp %neg3A_154 : f32
      %neg3A_155 = arith.constant 0.000000e+00 : f32
      %neg3A_156 = arith.subf %neg3A_155, %reduce_sum3A_153 : f32
      %exp3A_157 = math.exp %neg3A_156 : f32
      %add3A_158 = arith.addf %exp3A, %exp3A_157 : f32
      %broadcast_in_dim3A_159 = vector.broadcast %add3A_158 : f32 to vector<1x1xf32>
      %swap3A_160 = arith.constant 0 : index
      %swap3A_161 = arith.constant 0 : index
      %swap3A_162 = vector.load %arg11[%swap3A_160, %swap3A_161] : memref<1x1xf32, #tpu.memory_space<vmem>>, vector<1x1xf32>
      tpu.vector_store %arg11[%swap3A_160, %swap3A_161], %broadcast_in_dim3A_159 {strides = array<i32>} : memref<1x1xf32, #tpu.memory_space<vmem>>, vector<1x1xf32>,
    } else {
    }
    return
  }
  func.func @transform_0(%arg0: i32, %arg1: i32) -> (i32, i32, i32, i32) {
    %c0_i32 = arith.constant 0 : i32
    %c0_i32_0 = arith.constant 0 : i32
    %c0_i32_1 = arith.constant 0 : i32
    return %arg1, %arg0, %c0_i32, %c0_i32_0 : i32, i32, i32, i32
  }
  func.func @transform_1(%arg0: i32, %arg1: i32) -> (i32, i32, i32) {
    %c0_i32 = arith.constant 0 : i32
    %c0_i32_0 = arith.constant 0 : i32
    %c0_i32_1 = arith.constant 0 : i32
    return %arg0, %c0_i32, %c0_i32_0 : i32, i32, i32
  }
  func.func @transform_2(%arg0: i32, %arg1: i32) -> (i32, i32, i32, i32) {
    %c0_i32 = arith.constant 0 : i32
    %c0_i32_0 = arith.constant 0 : i32
    %c0_i32_1 = arith.constant 0 : i32
    return %arg0, %arg1, %c0_i32, %c0_i32_0 : i32, i32, i32, i32
  }
  func.func @transform_3(%arg0: i32, %arg1: i32) -> (i32, i32, i32) {
    %c0_i32 = arith.constant 0 : i32
    %c0_i32_0 = arith.constant 0 : i32
    %c0_i32_1 = arith.constant 0 : i32
    return %arg0, %c0_i32, %c0_i32_0 : i32, i32, i32
  }
  func.func @transform_4(%arg0: i32, %arg1: i32) -> (i32, i32, i32) {
    %c0_i32 = arith.constant 0 : i32
    %c0_i32_0 = arith.constant 0 : i32
    %c0_i32_1 = arith.constant 0 : i32
    %c0_i32_2 = arith.constant 0 : i32
    return %c0_i32, %c0_i32_0, %c0_i32_1 : i32, i32, i32
  }
  func.func @transform_5(%arg0: i32, %arg1: i32) -> (i32, i32, i32) {
    %c0_i32 = arith.constant 0 : i32
    %c0_i32_0 = arith.constant 0 : i32
    %c0_i32_1 = arith.constant 0 : i32
    return %arg0, %c0_i32, %c0_i32_0 : i32, i32, i32
  }
  func.func @transform_6(%arg0: i32, %arg1: i32) -> (i32, i32, i32) {
    %c0_i32 = arith.constant 0 : i32
    %c0_i32_0 = arith.constant 0 : i32
    %c0_i32_1 = arith.constant 0 : i32
    return %arg0, %c0_i32, %c0_i32_0 : i32, i32, i32
  }
  func.func @transform_7(%arg0: i32, %arg1: i32) -> (i32, i32, i32, i32) {
    %c0_i32 = arith.constant 0 : i32
    %c0_i32_0 = arith.constant 0 : i32
    %c0_i32_1 = arith.constant 0 : i32
    return %arg0, %arg1, %c0_i32, %c0_i32_0 : i32, i32, i32, i32
  }
  func.func @transform_8(%arg0: i32, %arg1: i32) -> (i32, i32) {
    %c0_i32 = arith.constant 0 : i32
    %c0_i32_0 = arith.constant 0 : i32
    %c0_i32_1 = arith.constant 0 : i32
    return %c0_i32, %c0_i32_0 : i32, i32
  }
  func.func @transform_9(%arg0: i32, %arg1: i32) -> (i32, i32) {
    %c0_i32 = arith.constant 0 : i32
    %c0_i32_0 = arith.constant 0 : i32
    %c0_i32_1 = arith.constant 0 : i32
    return %c0_i32, %c0_i32_0 : i32, i32
  }
}

</mosaic_0001>

<sc_bundles>
// kernel: kernel.4.cloned.1.call-start
scs
__scs_entry_jumppad:
0x0: {  	(pc) =	sbr.rel $0x88, $3  }
0x1: {  	(tag) =	ssettag $0x0;
	lr =	simm.s32 $0x1  }
0x2: {  	[smem:$0x3F9C] =	sst lr;
	_ =	strace $0xD0000000  }
0x3: {  	_ = 	snop  }
0x4: {  	_ = 	snop  }
0x5: {  	_ = 	snop  }
0x6: {  	_ = 	snop  }
0x7: {  	_ = 	snop  }
__scs_overlays_trampoline_lowered:
0x8: {  	[smem:$0x3FAB] =	sst s0  }
0x9: {  	[smem:$0x3FAC] =	sst s1  }
0xa: {  	[smem:$0x3FAD] =	sst s2  }
0xb: {  	[smem:$0x3FAE] =	sst s3  }
0xc: {  	[smem:$0x3FAF] =	sst s4  }
0xd: {  	[smem:$0x3FB0] =	sst s5  }
0xe: {  	[smem:$0x3FB1] =	sst s6  }
0xf: {  	[smem:$0x3FB2] =	sst s7  }
0x10: {  	[smem:$0x3FB3] =	sst s8  }
0x11: {  	[smem:$0x3FB4] =	sst s9;
	s0 =	simm.s32 @!p0 $0x0  }
0x12: {  	s1 =	sld [smem:$0x3F9A];
	s0 =	simm.s32 @p0 $0x1  }
0x13: {  	[smem:$0x3FB5] =	sst s0;
	s0 =	simm.s32 @!p1 $0x0  }
0x14: {  	s2 =	sld [smem:$0x3F99];
	s0 =	simm.s32 @p1 $0x1  }
0x15: {  	[smem:$0x3FB6] =	sst s0;
	s0 =	simm.s32 @!p2 $0x0  }
0x16: {  	s3 =	sld [smem:$0x3FDB];
	s0 =	simm.s32 @p2 $0x1  }
0x17: {  	s4 =	simm.s32 $0x1BF5;
	[smem:$0x3FB8] =	sst s0  }
0x18: {  	s0 =	sld [smem:$0x3F9B];
	_ =	swait.ge [sflag:s4], $0x0  }
0x19: {  	s7 =	sld [smem:$0x3F9C]  }
0x1a: {  	s8 =	sadd.s32 $0xFFFFE003, lr  }
0x1b: {  	s9 =	sadd.s32 $0xFFFFFEF7, lr;
	s5 =	simm.s32 $0xFFFFFFFF;
	p2 =	slt.u32 s8, $0xFFFFF086  }
0x1c: {  	p1 =	slt.u32 s9, $0xF7A;
	s5 =	simm.s32 @!p2 $0x0  }
0x1d: {  	s5 =	simm.s32 @p1 $0x1;
	p0 =	seq.s32 s7, s2  }
0x1e: {  	s7 =	smul.u32 @!p0 $0xF7A, s2;
	p2 =	seq.s32 @!p0 s5, $0x0  }
0x1f: {  	s9 =	smul.u32 $0xF7A, s1;
	s8 =	simm.s32 @!p0 $0x1BF5;
	p2 =	por !p2, p0  }
0x20: {  	[sflag:s8] =	ssyncset.s32 @!p0 $0xFFFFF086;
	s6 =	sadd.s32 @!p0 s3, s7;
	s7 =	simm.s32 @!p0 $0x108  }
0x21: {  	s3 =	sadd.s32 s3, s9;
	s6 =	sadd.s32 @!p0 $0x88, s6;
	s7 =	simm.s32 @p2 $0x1082  }
0x22: {  	[simem:s7], [sflag:s8] =	dma.local @!p0 [hbm:s6], $0xF7A  }
0x23: {  	s9 =	sor.u32 $0xD0000000, s2;
	s6 =	simm.s32 $0x108;
	_ =	swait.ge @!p0 [sflag:s8], $0x0  }
0x24: {  	s3 =	sadd.s32 $0x88, s3;
	s6 =	simm.s32 @!p1 $0x1082;
	[sflag:s4] =	ssyncset.s32 $0xFFFFF086  }
0x25: {  	[simem:s6], [sflag:s4] =	dma.local [hbm:s3], $0xF7A  }
0x26: {  	[smem:$0x3F9C] =	sst s1;
	(tag) =	ssettag s2;
	_ =	strace s9  }
0x27: {  	s1 =	sld [smem:$0x3FAC]  }
0x28: {  	s2 =	sld [smem:$0x3FAD]  }
0x29: {  	s4 =	sld [smem:$0x3FAF]  }
0x2a: {  	p0 =	seq.s32 s5, $0x0;
	s5 =	sld [smem:$0x3FB0]  }
0x2b: {  	s6 =	sld [smem:$0x3FB1]  }
0x2c: {  	s7 =	sld [smem:$0x3FB2]  }
0x2d: {  	s3 =	simm.s32 $0x108;
	s8 =	sld [smem:$0x3FB3]  }
0x2e: {  	s3 =	simm.s32 @!p0 $0x1082;
	s9 =	sld [smem:$0x3FB4]  }
0x2f: {  	lr =	sadd.s32 s0, s3;
	s0 =	sld [smem:$0x3FAB]  }
0x30: {  	s3 =	sld [smem:$0x3FAE]  }
0x31: {  	[smem:$0x3FB7] =	sst s10  }
0x32: {  	s10 =	sld [smem:$0x3FB5];
	_ =	sdelay $0x3  }
0x33: {  	p0 =	seq.s32 s10, $0x1;
	s10 =	sld [smem:$0x3FB7];
	_ =	sdelay $0x3  }
0x34: {  	[smem:$0x3FB7] =	sst s10  }
0x35: {  	s10 =	sld [smem:$0x3FB6];
	_ =	sdelay $0x3  }
0x36: {  	p1 =	seq.s32 s10, $0x1;
	s10 =	sld [smem:$0x3FB7];
	_ =	sdelay $0x3  }
0x37: {  	[smem:$0x3FB7] =	sst s10  }
0x38: {  	s10 =	sld [smem:$0x3FB8]  }
0x39: {  	_ = 	snop;
	(pc) =	sbr.ind lr, $3  }
0x3a: {  	_ = 	snop  }
0x3b: {  	_ = 	snop  }
0x3c: {  	p2 =	seq.s32 s10, $0x1;
	s10 =	sld [smem:$0x3FB7]  }
0x3d: {  	_ =	shalt  }
0x3e: {  	_ =	shalt  }
0x3f: {  	_ =	shalt  }
0x40: {  	_ =	shalt  }
0x41: {  	_ =	shalt  }
0x42: {  	_ =	shalt  }
0x43: {  	_ =	shalt  }
0x44: {  	_ =	shalt  }
0x45: {  	_ =	shalt  }
0x46: {  	_ =	shalt  }
0x47: {  	_ =	shalt  }
0x48: {  	_ =	shalt  }
0x49: {  	_ =	shalt  }
0x4a: {  	_ =	shalt  }
0x4b: {  	_ =	shalt  }
0x4c: {  	_ =	shalt  }
0x4d: {  	_ =	shalt  }
0x4e: {  	_ =	shalt  }
0x4f: {  	_ =	shalt  }
0x50: {  	_ =	shalt  }
0x51: {  	_ =	shalt  }
0x52: {  	_ =	shalt  }
0x53: {  	_ =	shalt  }
0x54: {  	_ =	shalt  }
0x55: {  	_ =	shalt  }
0x56: {  	_ =	shalt  }
0x57: {  	_ =	shalt  }
0x58: {  	_ =	shalt  }
0x59: {  	_ =	shalt  }
0x5a: {  	_ =	shalt  }
0x5b: {  	_ =	shalt  }
0x5c: {  	_ =	shalt  }
0x5d: {  	_ =	shalt  }
0x5e: {  	_ =	shalt  }
0x5f: {  	_ =	shalt  }
0x60: {  	_ =	shalt  }
0x61: {  	_ =	shalt  }
0x62: {  	_ =	shalt  }
0x63: {  	_ =	shalt  }
0x64: {  	_ =	shalt  }
0x65: {  	_ =	shalt  }
0x66: {  	_ =	shalt  }
0x67: {  	_ =	shalt  }
0x68: {  	_ =	shalt  }
0x69: {  	_ =	shalt  }
0x6a: {  	_ =	shalt  }
0x6b: {  	_ =	shalt  }
0x6c: {  	_ =	shalt  }
0x6d: {  	_ =	shalt  }
0x6e: {  	_ =	shalt  }
0x6f: {  	_ =	shalt  }
0x70: {  	_ =	shalt  }
0x71: {  	_ =	shalt  }
0x72: {  	_ =	shalt  }
0x73: {  	_ =	shalt  }
0x74: {  	_ =	shalt  }
0x75: {  	_ =	shalt  }
0x76: {  	_ =	shalt  }
0x77: {  	_ =	shalt  }
0x78: {  	_ =	shalt  }
0x79: {  	_ =	shalt  }
0x7a: {  	_ =	shalt  }
0x7b: {  	_ =	shalt  }
0x7c: {  	_ =	shalt  }
0x7d: {  	_ =	shalt  }
0x7e: {  	_ =	shalt  }
0x7f: {  	_ =	shalt  }
0x80: {  	_ =	shalt  }
0x81: {  	_ =	shalt  }
0x82: {  	_ =	shalt  }
0x83: {  	_ =	shalt  }
0x84: {  	_ =	shalt  }
0x85: {  	_ =	shalt  }
0x86: {  	_ =	shalt  }
0x87: {  	_ =	shalt  }
.Lfunc_end0:
.L_simem_size_0:
called_computation_lowered:
.L_overlay_start_0:
0x88: {  	s2 =	sld [smem:$0x3FD9]  }
0x89: {  	s3 =	sld [smem:$0x3FFE];
	_ =	sdelay $0x1  }
0x8a: {  	s1 =	srdreg.scid  }
0x8b: {  	s0 =	sand.u32 $0x1, s1  }
0x8c: {  	s14 =	sshll.u32 s0, $0xA;
	s2 =	sadd.s32 s3, s2  }
0x8d: {  	s2 =	sadd.s32 s2, s14  }
0x8e: {  	[smem:$0x3FC3] =	sst s2  }
0x8f: {  	_ = 	snop  }
0x90: {  	s2 =	sld [smem:$0x3FD0];
	_ =	sdelay $0x2  }
0x91: {  	s15 =	simm.s32 $0xA;
	s4 =	simm.s32 $0x10  }
0x92: {  	[smem:s4], [sflag:s15] =	dma.local [hbm:s2], $0x1  }
0x93: {  	_ =	swait.eq [sflag:s15], $0x1  }
0x94: {  	[sflag:s15] =	ssyncset.done $0x0  }
0x95: {  	[sflag:s15] =	ssyncadd.s32 $0xFFFFFFFF  }
0x96: {  	s16 =	sld [smem:$0x10];
	(tm) =	ssettm $0x1  }
0x97: {  	s17 =	sld [smem:$0x3FFB];
	_ =	sdelay $0x3  }
0x98: {  	_ =	strace s17  }
0x99: {  	s3 =	sld [smem:$0x3FFC];
	_ =	sdelay $0x3  }
0x9a: {  	_ =	strace s3  }
0x9b: {  	s3 =	sld [smem:$0x3FFD];
	_ =	sdelay $0x3  }
0x9c: {  	_ =	strace s3  }
0x9d: {  	_ =	strace $0x8FFFFFFF  }
0x9e: {  	s18 =	sld [smem:$0x3FDB];
	_ =	sdelay $0x1  }
0x9f: {  	s19 =	simm.s32 $_scs_section_size  }
0xa0: {  	s5 =	simm.s32 $_size__tile_overlayer_lowered;
	s6 =	simm.s32 $_tile_overlayer_lowered  }
0xa1: {  	s22 =	simm.s32 $0x1BFF;
	s21 =	sshll.u32 s6, $0x1;
	s3 =	sadd.s32 s19, s18  }
0xa2: {  	s7 =	simm.s32 $0x0;
	s20 =	sshll.u32 s5, $0x1;
	s5 =	sadd.s32 s21, s3  }
0xa3: {  	[timem:s7], [sflag:s22] =	dma.local [hbm:s5], s20  }
0xa4: {  	_ =	swait.ge [sflag:s22], s20  }
0xa5: {  	s4 =	ssub.s32 $0x0, s20;
	[sflag:s22] =	ssyncset.done $0x0  }
0xa6: {  	[sflag:s22] =	ssyncadd.s32 s4;
	_ =	sdelay $0x1  }
0xa7: {  	s23 =	simm.s32 $0x1B8B  }
0xa8: {  	_ =	swait.ge [sflag:s23], $0x1  }
0xa9: {  	[sflag:s23] =	ssyncset.done $0x0  }
0xaa: {  	s25 =	simm.s32 $0x1B8E;
	s24 =	sld [smem:$0x3FFE];
	[sflag:s23] =	ssyncadd.s32 $0xFFFFFFFF  }
0xab: {  	s26 =	simm.s32 $execute0_lowered;
	[smem:$0x3FD2] =	sst s25  }
0xac: {  	s5 =	sshll.u32 s26, $0x1;
	_ =	strace $0x80000046;
	[dreg:$0x1] =	wrdreg $0xFFFFFFFF  }
0xad: {  	s28 =	simm.s32 $_size_execute0_lowered;
	s3 =	sadd.s32 s3, s5;
	[dreg:$0x0] =	wrdreg $0x0  }
0xae: {  	s5 =	sshll.u32 s28, $0x1;
	[dreg:$0x2] =	wrdreg s3  }
0xaf: {  	[dreg:$0x3] =	wrdreg s5  }
0xb0: {  	[dreg:$0x4] =	wrdreg $0xC0  }
0xb1: {  	_ =	task [dreg:s7], $0x5FFFF  }
0xb2: {  	[dreg:$0x1] =	wrdreg $0xFFFFFFFF  }
0xb3: {  	[dreg:$0x0] =	wrdreg $0x60  }
0xb4: {  	[dreg:$0x2] =	wrdreg s24  }
0xb5: {  	[dreg:$0x3] =	wrdreg s16  }
0xb6: {  	[dreg:$0x4] =	wrdreg $0x9  }
0xb7: {  	_ =	task.clear_ibuf [dreg:s7], $0x5FFFF;
	_ =	strace $0x90000046  }
0xb8: {  	s29 =	simm.s32 $0x9;
	_ =	strace $0x80000048  }
0xb9: {  	_ =	swait.ge [sflag:s29], $0x1  }
0xba: {  	[sflag:s29] =	ssyncadd.s32 $0xFFFFFFFF  }
0xbb: {  	_ =	strace $0x90000048  }
0xbc: {  	_ =	sfence  }
0xbd: {  	s30 =	sld [smem:$0x0];
	_ =	sdelay $0x2  }
0xbe: {  	s31 =	sshll.u32 s1, $0xD;
	s1 =	sshrl.u32 s1, $0x2  }
0xbf: {  	s3 =	sand.u32 $0x4000, s31;
	s1 =	sadd.s32 s1, s30  }
0xc0: {  	s0 =	sor.u32 s3, s0;
	s1 =	sshll.u32 s1, $0x11  }
0xc1: {  	s0 =	sor.u32 s1, s0  }
0xc2: {  	s0 =	sadd.s32 $0x8F2B, s0  }
0xc3: {  	[sflag:s0] =	ssyncadd.remote.s32 $0x1  }
0xc4: {  	_ =	sfence.sel $0xFFFF  }
0xc5: {  	[dreg:$0x0] =	wrdreg $0xFFFFFFFF;
	(pc) =	sbr.abs _section_cstart, $3  }
0xc6: {  	[dreg:$0x1] =	wrdreg $0xFFFFFFFF  }
0xc7: {  	_ =	task.clear_ibuf [dreg:s7], $0x2FFFF;
	_ =	strace $0x9FFFFFFF  }
0xc8: {  	(tm) =	ssettm $0x7FFFFFFF  }
0xc9: {  	_ =	shalt  }
tec
execute0_lowered:
.L_overlay_start_1:
0x0: {  	(tag) =	ssettag $0x1  }
0x1: {  	s1 =	rddreg [dreg:$0x0]  }
0x2: {  	s0 =	rddreg [dreg:$0x1]  }
0x3: {  	s3 =	simm.s32 $0x0;
	s2 =	srdreg.scid;
	s7 =	stileid.u32  }
0x4: {  	s13 =	simm.s32 $0x2;
	s15 =	simm.s32 $0xA00;
	s16 =	simm.s32 $0x1200  }
0x5: {  	s17 =	simm.s32 $0x1A00;
	s18 =	simm.s32 $0x2200;
	s19 =	simm.s32 $0x2A00  }
0x6: {  	s20 =	simm.s32 $0x3200;
	s28 =	simm.s32 $0x6200;
	s29 =	simm.s32 $0x6A00  }
0x7: {  	s30 =	simm.s32 $0x7200;
	s31 =	simm.s32 $0x7A00;
	s8 =	simm.s32 $0xA200  }
0x8: {  	s9 =	simm.s32 $0xAA00;
	s10 =	simm.s32 $0xB200;
	s11 =	simm.s32 $0xBA00  }
0x9: {  	[smem:$0x7FF] =	sst s3;
	s2 =	sand.u32 $0x1, s2;
	s4 =	sshll.u32 s7, $0xF  }
0xa: {  	s21 =	sshll.u32 s7, $0x7;
	s7 =	simm.s32 $0x9A00;
	s5 =	sshll.u32 s2, $0xE  }
0xb: {  	s6 =	sshll.u32 s2, $0x6;
	_ =	strace $0x80000047;
	s2 =	ssub.s32 $0x2, s2  }
0xc: {  	s4 =	sor.u32 s5, s4;
	s0 =	sadd.s32 s0, s6;
	s25 =	sshrl.u32 s2, $0x1  }
0xd: {  	s5 =	simm.s32 $0x3;
	s4 =	sadd.s32 s4, s1;
	s0 =	sadd.s32 s21, s0  }
0xe: {  	s2 =	ssub.s32 s2, s25;
	[dreg:$0x3] =	wrdreg s0;
	s22 =	sadd.s32 $0x10000, s4  }
0xf: {  	s21 =	simm.s32 $0x3A00;
	s23 =	sadd.s32 $0x11000, s4;
	[dreg:$0x4] =	wrdreg s22  }
0x10: {  	s25 =	simm.s32 $0x5200;
	s24 =	sadd.s32 $0x12000, s4;
	[dreg:$0x5] =	wrdreg s23  }
0x11: {  	v2 =	vlaneseq.u32;
	s26 =	sadd.s32 $0x13000, s4;
	s4 =	smax.u32 s2, $0x1;
	[dreg:$0x6] =	wrdreg s24  }
0x12: {  	vm0 =	vmmov $0xffff;
	v1 =	vshrl.u32 v2, $0x3;
	s2 =	simm.s32 $0x1;
	[dreg:$0x7] =	wrdreg s26;
	s23 =	simm.s32 $0x4200  }
0x13: {  	v0 =	vand.u32 $0x7, v2;
	v2 =	vor.u32 $0x8, v2;
	v1 =	vmul.u32 $0x8, v1;
	s24 =	simm.s32 $0x4A00;
	s26 =	simm.s32 $0x5A00;
	s22 =	simm.s32 $0x8A00  }
.LBB2_1:
0x14: {  	s14 =	rddreg [dreg:$0x3]  }
0x15: {  	[tilespmem:s3], [sflag:$0x3] =	stream.linear.gather [hbm4b:s14+s3], $0x200, $0x38;
	[tilespmem:$0x10200] =	vst v63  }
0x16: {  	_ =	swait.ge [sflag:s5], $0x200  }
0x17: {  	[sflag:s5] =	ssyncset.done $0x0  }
0x18: {  	[sflag:s5] =	ssyncadd.s32 $0xFFFFFE00  }
0x19: {  	v3 =	vld [tilespmem:$0x0];
	_ =	sdelay $0x4  }
0x1a: {  	v4 =	vshll.u32 v3, $0x1  }
0x1b: {  	v3 =	vand.u32 $0x7, v3;
	v4 =	vand.u32 $0xFFFFFFF0, v4  }
0x1c: {  	v3 =	vor.u32 v3, v4  }
0x1d: {  	v4 =	vperm.xlane v3, v0;
	_ =	sdelay $0x1  }
0x1e: {  	v3 =	vperm.xlane v3, v2;
	v4 =	vadd.s32 v1, v4;
	_ =	sdelay $0x1  }
0x1f: {  	v3 =	vadd.s32 v1, v3;
	_ =	sdelay $0x1  }
0x20: {  	s0 =	simm.s32 $0x200  }
0x21: {  	[tilespmem:s0], [sflag:$0x1] =	stream.indirect_vreg.gather [hbm4b:s1+s3], $0x80, v4, vm0, $0xb8;
	[tilespmem:$0x10200] =	vst v63  }
0x22: {  	_ = 	snop  }
0x23: {  	[tilespmem:s15], [sflag:$0x1] =	stream.indirect_vreg.gather [hbm4b:s1+s3], $0x80, v3, vm0, $0xb8;
	[tilespmem:$0x10200] =	vst v63  }
0x24: {  	v3 =	vld [tilespmem:$0x10];
	_ =	sdelay $0x4  }
0x25: {  	v33 =	vshll.u32 v3, $0x1  }
0x26: {  	v3 =	vand.u32 $0x7, v3;
	v4 =	vand.u32 $0xFFFFFFF0, v33  }
0x27: {  	v3 =	vor.u32 v3, v4  }
0x28: {  	v4 =	vperm.xlane v3, v0;
	_ =	sdelay $0x1  }
0x29: {  	v3 =	vperm.xlane v3, v2;
	v4 =	vadd.s32 v1, v4;
	_ =	sdelay $0x1  }
0x2a: {  	v3 =	vadd.s32 v1, v3;
	_ =	sdelay $0x2  }
0x2b: {  	[tilespmem:s16], [sflag:$0x1] =	stream.indirect_vreg.gather [hbm4b:s1+s3], $0x80, v4, vm0, $0xb8;
	[tilespmem:$0x10200] =	vst v63  }
0x2c: {  	_ = 	snop  }
0x2d: {  	[tilespmem:s17], [sflag:$0x1] =	stream.indirect_vreg.gather [hbm4b:s1+s3], $0x80, v3, vm0, $0xb8;
	[tilespmem:$0x10200] =	vst v63  }
0x2e: {  	v3 =	vld [tilespmem:$0x20];
	_ =	sdelay $0x4  }
0x2f: {  	v34 =	vshll.u32 v3, $0x1  }
0x30: {  	v3 =	vand.u32 $0x7, v3;
	v4 =	vand.u32 $0xFFFFFFF0, v34  }
0x31: {  	v3 =	vor.u32 v3, v4  }
0x32: {  	v4 =	vperm.xlane v3, v0;
	_ =	sdelay $0x1  }
0x33: {  	v3 =	vperm.xlane v3, v2;
	v4 =	vadd.s32 v1, v4;
	_ =	sdelay $0x1  }
0x34: {  	v3 =	vadd.s32 v1, v3;
	_ =	sdelay $0x2  }
0x35: {  	[tilespmem:s18], [sflag:$0x1] =	stream.indirect_vreg.gather [hbm4b:s1+s3], $0x80, v4, vm0, $0xb8;
	[tilespmem:$0x10200] =	vst v63  }
0x36: {  	_ = 	snop  }
0x37: {  	[tilespmem:s19], [sflag:$0x1] =	stream.indirect_vreg.gather [hbm4b:s1+s3], $0x80, v3, vm0, $0xb8;
	[tilespmem:$0x10200] =	vst v63  }
0x38: {  	v3 =	vld [tilespmem:$0x30];
	_ =	sdelay $0x4  }
0x39: {  	v35 =	vshll.u32 v3, $0x1  }
0x3a: {  	v3 =	vand.u32 $0x7, v3;
	v4 =	vand.u32 $0xFFFFFFF0, v35  }
0x3b: {  	v3 =	vor.u32 v3, v4  }
0x3c: {  	v4 =	vperm.xlane v3, v0;
	_ =	sdelay $0x1  }
0x3d: {  	v3 =	vperm.xlane v3, v2;
	v4 =	vadd.s32 v1, v4;
	_ =	sdelay $0x1  }
0x3e: {  	v3 =	vadd.s32 v1, v3;
	_ =	sdelay $0x2  }
0x3f: {  	[tilespmem:s20], [sflag:$0x1] =	stream.indirect_vreg.gather [hbm4b:s1+s3], $0x80, v4, vm0, $0xb8;
	[tilespmem:$0x10200] =	vst v63  }
0x40: {  	_ = 	snop  }
0x41: {  	[tilespmem:s21], [sflag:$0x1] =	stream.indirect_vreg.gather [hbm4b:s1+s3], $0x80, v3, vm0, $0xb8;
	[tilespmem:$0x10200] =	vst v63  }
0x42: {  	v3 =	vld [tilespmem:$0x40];
	_ =	sdelay $0x4  }
0x43: {  	v36 =	vshll.u32 v3, $0x1  }
0x44: {  	v3 =	vand.u32 $0x7, v3;
	v4 =	vand.u32 $0xFFFFFFF0, v36  }
0x45: {  	v3 =	vor.u32 v3, v4  }
0x46: {  	v4 =	vperm.xlane v3, v0;
	_ =	sdelay $0x1  }
0x47: {  	v3 =	vperm.xlane v3, v2;
	v4 =	vadd.s32 v1, v4;
	_ =	sdelay $0x1  }
0x48: {  	v3 =	vadd.s32 v1, v3;
	_ =	sdelay $0x2  }
0x49: {  	[tilespmem:s23], [sflag:$0x1] =	stream.indirect_vreg.gather [hbm4b:s1+s3], $0x80, v4, vm0, $0xb8;
	[tilespmem:$0x10200] =	vst v63  }
0x4a: {  	_ = 	snop  }
0x4b: {  	[tilespmem:s24], [sflag:$0x1] =	stream.indirect_vreg.gather [hbm4b:s1+s3], $0x80, v3, vm0, $0xb8;
	[tilespmem:$0x10200] =	vst v63  }
0x4c: {  	v3 =	vld [tilespmem:$0x50];
	_ =	sdelay $0x4  }
0x4d: {  	v37 =	vshll.u32 v3, $0x1  }
0x4e: {  	v3 =	vand.u32 $0x7, v3;
	v4 =	vand.u32 $0xFFFFFFF0, v37  }
0x4f: {  	v3 =	vor.u32 v3, v4  }
0x50: {  	v4 =	vperm.xlane v3, v0;
	_ =	sdelay $0x1  }
0x51: {  	v3 =	vperm.xlane v3, v2;
	v4 =	vadd.s32 v1, v4;
	_ =	sdelay $0x1  }
0x52: {  	v3 =	vadd.s32 v1, v3;
	_ =	sdelay $0x2  }
0x53: {  	[tilespmem:s25], [sflag:$0x1] =	stream.indirect_vreg.gather [hbm4b:s1+s3], $0x80, v4, vm0, $0xb8;
	[tilespmem:$0x10200] =	vst v63  }
0x54: {  	_ = 	snop  }
0x55: {  	[tilespmem:s26], [sflag:$0x1] =	stream.indirect_vreg.gather [hbm4b:s1+s3], $0x80, v3, vm0, $0xb8;
	[tilespmem:$0x10200] =	vst v63  }
0x56: {  	v3 =	vld [tilespmem:$0x60];
	_ =	sdelay $0x4  }
0x57: {  	v38 =	vshll.u32 v3, $0x1  }
0x58: {  	v3 =	vand.u32 $0x7, v3;
	v4 =	vand.u32 $0xFFFFFFF0, v38  }
0x59: {  	v3 =	vor.u32 v3, v4  }
0x5a: {  	v4 =	vperm.xlane v3, v0;
	_ =	sdelay $0x1  }
0x5b: {  	v3 =	vperm.xlane v3, v2;
	v4 =	vadd.s32 v1, v4;
	_ =	sdelay $0x1  }
0x5c: {  	v3 =	vadd.s32 v1, v3;
	_ =	sdelay $0x2  }
0x5d: {  	[tilespmem:s28], [sflag:$0x1] =	stream.indirect_vreg.gather [hbm4b:s1+s3], $0x80, v4, vm0, $0xb8;
	[tilespmem:$0x10200] =	vst v63  }
0x5e: {  	_ = 	snop  }
0x5f: {  	[tilespmem:s29], [sflag:$0x1] =	stream.indirect_vreg.gather [hbm4b:s1+s3], $0x80, v3, vm0, $0xb8;
	[tilespmem:$0x10200] =	vst v63  }
0x60: {  	v3 =	vld [tilespmem:$0x70];
	_ =	sdelay $0x4  }
0x61: {  	v39 =	vshll.u32 v3, $0x1  }
0x62: {  	v3 =	vand.u32 $0x7, v3;
	v4 =	vand.u32 $0xFFFFFFF0, v39  }
0x63: {  	v3 =	vor.u32 v3, v4  }
0x64: {  	v4 =	vperm.xlane v3, v0;
	_ =	sdelay $0x1  }
0x65: {  	v3 =	vperm.xlane v3, v2;
	v4 =	vadd.s32 v1, v4;
	_ =	sdelay $0x1  }
0x66: {  	v3 =	vadd.s32 v1, v3;
	_ =	sdelay $0x2  }
0x67: {  	[tilespmem:s30], [sflag:$0x1] =	stream.indirect_vreg.gather [hbm4b:s1+s3], $0x80, v4, vm0, $0xb8;
	[tilespmem:$0x10200] =	vst v63  }
0x68: {  	_ = 	snop  }
0x69: {  	[tilespmem:s31], [sflag:$0x1] =	stream.indirect_vreg.gather [hbm4b:s1+s3], $0x80, v3, vm0, $0xb8;
	[tilespmem:$0x10200] =	vst v63  }
0x6a: {  	v3 =	vld [tilespmem:$0x80];
	_ =	sdelay $0x4  }
0x6b: {  	v40 =	vshll.u32 v3, $0x1  }
0x6c: {  	v3 =	vand.u32 $0x7, v3;
	v4 =	vand.u32 $0xFFFFFFF0, v40  }
0x6d: {  	v3 =	vor.u32 v3, v4  }
0x6e: {  	v4 =	vperm.xlane v3, v0;
	_ =	sdelay $0x1  }
0x6f: {  	v3 =	vperm.xlane v3, v2;
	v4 =	vadd.s32 v1, v4;
	_ =	sdelay $0x1  }
0x70: {  	v3 =	vadd.s32 v1, v3;
	_ =	sdelay $0x1  }
0x71: {  	s0 =	simm.s32 $0x8200  }
0x72: {  	[tilespmem:s0], [sflag:$0x2] =	stream.indirect_vreg.gather [hbm4b:s1+s3], $0x80, v4, vm0, $0xb8;
	[tilespmem:$0x10200] =	vst v63  }
0x73: {  	_ = 	snop  }
0x74: {  	[tilespmem:s22], [sflag:$0x2] =	stream.indirect_vreg.gather [hbm4b:s1+s3], $0x80, v3, vm0, $0xb8;
	[tilespmem:$0x10200] =	vst v63  }
0x75: {  	v3 =	vld [tilespmem:$0x90];
	_ =	sdelay $0x4  }
0x76: {  	v41 =	vshll.u32 v3, $0x1  }
0x77: {  	v3 =	vand.u32 $0x7, v3;
	v4 =	vand.u32 $0xFFFFFFF0, v41  }
0x78: {  	v3 =	vor.u32 v3, v4  }
0x79: {  	v4 =	vperm.xlane v3, v0;
	_ =	sdelay $0x1  }
0x7a: {  	v3 =	vperm.xlane v3, v2;
	v4 =	vadd.s32 v1, v4;
	_ =	sdelay $0x1  }
0x7b: {  	v3 =	vadd.s32 v1, v3;
	_ =	sdelay $0x1  }
0x7c: {  	s6 =	simm.s32 $0x9200  }
0x7d: {  	[tilespmem:s6], [sflag:$0x2] =	stream.indirect_vreg.gather [hbm4b:s1+s3], $0x80, v4, vm0, $0xb8;
	[tilespmem:$0x10200] =	vst v63  }
0x7e: {  	_ = 	snop  }
0x7f: {  	[tilespmem:s7], [sflag:$0x2] =	stream.indirect_vreg.gather [hbm4b:s1+s3], $0x80, v3, vm0, $0xb8;
	[tilespmem:$0x10200] =	vst v63  }
0x80: {  	v3 =	vld [tilespmem:$0xA0];
	_ =	sdelay $0x4  }
0x81: {  	v42 =	vshll.u32 v3, $0x1  }
0x82: {  	v3 =	vand.u32 $0x7, v3;
	v4 =	vand.u32 $0xFFFFFFF0, v42  }
0x83: {  	v3 =	vor.u32 v3, v4  }
0x84: {  	v4 =	vperm.xlane v3, v0;
	_ =	sdelay $0x1  }
0x85: {  	v3 =	vperm.xlane v3, v2;
	v4 =	vadd.s32 v1, v4;
	_ =	sdelay $0x1  }
0x86: {  	v3 =	vadd.s32 v1, v3;
	_ =	sdelay $0x2  }
0x87: {  	[tilespmem:s8], [sflag:$0x2] =	stream.indirect_vreg.gather [hbm4b:s1+s3], $0x80, v4, vm0, $0xb8;
	[tilespmem:$0x10200] =	vst v63  }
0x88: {  	_ = 	snop  }
0x89: {  	[tilespmem:s9], [sflag:$0x2] =	stream.indirect_vreg.gather [hbm4b:s1+s3], $0x80, v3, vm0, $0xb8;
	[tilespmem:$0x10200] =	vst v63  }
0x8a: {  	v3 =	vld [tilespmem:$0xB0];
	_ =	sdelay $0x4  }
0x8b: {  	v43 =	vshll.u32 v3, $0x1  }
0x8c: {  	v3 =	vand.u32 $0x7, v3;
	v4 =	vand.u32 $0xFFFFFFF0, v43  }
0x8d: {  	v3 =	vor.u32 v3, v4  }
0x8e: {  	v4 =	vperm.xlane v3, v0;
	_ =	sdelay $0x1  }
0x8f: {  	v3 =	vperm.xlane v3, v2;
	v4 =	vadd.s32 v1, v4;
	_ =	sdelay $0x1  }
0x90: {  	v3 =	vadd.s32 v1, v3;
	_ =	sdelay $0x2  }
0x91: {  	[tilespmem:s10], [sflag:$0x2] =	stream.indirect_vreg.gather [hbm4b:s1+s3], $0x80, v4, vm0, $0xb8;
	[tilespmem:$0x10200] =	vst v63  }
0x92: {  	_ = 	snop  }
0x93: {  	[tilespmem:s11], [sflag:$0x2] =	stream.indirect_vreg.gather [hbm4b:s1+s3], $0x80, v3, vm0, $0xb8;
	[tilespmem:$0x10200] =	vst v63  }
0x94: {  	v3 =	vld [tilespmem:$0xC0];
	_ =	sdelay $0x4  }
0x95: {  	v44 =	vshll.u32 v3, $0x1  }
0x96: {  	v3 =	vand.u32 $0x7, v3;
	v4 =	vand.u32 $0xFFFFFFF0, v44  }
0x97: {  	v3 =	vor.u32 v3, v4  }
0x98: {  	v4 =	vperm.xlane v3, v0;
	_ =	sdelay $0x1  }
0x99: {  	v3 =	vperm.xlane v3, v2;
	v4 =	vadd.s32 v1, v4;
	_ =	sdelay $0x1  }
0x9a: {  	v3 =	vadd.s32 v1, v3;
	_ =	sdelay $0x1  }
0x9b: {  	s6 =	simm.s32 $0xC200  }
0x9c: {  	[tilespmem:s6], [sflag:$0x2] =	stream.indirect_vreg.gather [hbm4b:s1+s3], $0x80, v4, vm0, $0xb8;
	[tilespmem:$0x10200] =	vst v63  }
0x9d: {  	s12 =	simm.s32 $0xCA00  }
0x9e: {  	[tilespmem:s12], [sflag:$0x2] =	stream.indirect_vreg.gather [hbm4b:s1+s3], $0x80, v3, vm0, $0xb8;
	[tilespmem:$0x10200] =	vst v63  }
0x9f: {  	v3 =	vld [tilespmem:$0xD0];
	_ =	sdelay $0x4  }
0xa0: {  	v45 =	vshll.u32 v3, $0x1  }
0xa1: {  	v3 =	vand.u32 $0x7, v3;
	v4 =	vand.u32 $0xFFFFFFF0, v45  }
0xa2: {  	v3 =	vor.u32 v3, v4  }
0xa3: {  	v4 =	vperm.xlane v3, v0;
	_ =	sdelay $0x1  }
0xa4: {  	v3 =	vperm.xlane v3, v2;
	v4 =	vadd.s32 v1, v4;
	_ =	sdelay $0x1  }
0xa5: {  	v3 =	vadd.s32 v1, v3;
	_ =	sdelay $0x1  }
0xa6: {  	s14 =	simm.s32 $0xD200  }
0xa7: {  	[tilespmem:s14], [sflag:$0x2] =	stream.indirect_vreg.gather [hbm4b:s1+s3], $0x80, v4, vm0, $0xb8;
	[tilespmem:$0x10200] =	vst v63  }
0xa8: {  	s14 =	simm.s32 $0xDA00  }
0xa9: {  	[tilespmem:s14], [sflag:$0x2] =	stream.indirect_vreg.gather [hbm4b:s1+s3], $0x80, v3, vm0, $0xb8;
	[tilespmem:$0x10200] =	vst v63  }
0xaa: {  	v3 =	vld [tilespmem:$0xE0];
	_ =	sdelay $0x4  }
0xab: {  	v46 =	vshll.u32 v3, $0x1  }
0xac: {  	v3 =	vand.u32 $0x7, v3;
	v4 =	vand.u32 $0xFFFFFFF0, v46  }
0xad: {  	v3 =	vor.u32 v3, v4  }
0xae: {  	v4 =	vperm.xlane v3, v0;
	_ =	sdelay $0x1  }
0xaf: {  	v3 =	vperm.xlane v3, v2;
	v4 =	vadd.s32 v1, v4;
	_ =	sdelay $0x1  }
0xb0: {  	v3 =	vadd.s32 v1, v3;
	_ =	sdelay $0x1  }
0xb1: {  	s14 =	simm.s32 $0xE200  }
0xb2: {  	[tilespmem:s14], [sflag:$0x2] =	stream.indirect_vreg.gather [hbm4b:s1+s3], $0x80, v4, vm0, $0xb8;
	[tilespmem:$0x10200] =	vst v63  }
0xb3: {  	s14 =	simm.s32 $0xEA00  }
0xb4: {  	[tilespmem:s14], [sflag:$0x2] =	stream.indirect_vreg.gather [hbm4b:s1+s3], $0x80, v3, vm0, $0xb8;
	[tilespmem:$0x10200] =	vst v63  }
0xb5: {  	v3 =	vld [tilespmem:$0xF0];
	_ =	sdelay $0x4  }
0xb6: {  	v47 =	vshll.u32 v3, $0x1  }
0xb7: {  	v3 =	vand.u32 $0x7, v3;
	v4 =	vand.u32 $0xFFFFFFF0, v47  }
0xb8: {  	v3 =	vor.u32 v3, v4  }
0xb9: {  	v4 =	vperm.xlane v3, v0;
	_ =	sdelay $0x1  }
0xba: {  	v3 =	vperm.xlane v3, v2;
	v4 =	vadd.s32 v1, v4;
	_ =	sdelay $0x1  }
0xbb: {  	v3 =	vadd.s32 v1, v3;
	_ =	sdelay $0x1  }
0xbc: {  	s14 =	simm.s32 $0xF200  }
0xbd: {  	[tilespmem:s14], [sflag:$0x2] =	stream.indirect_vreg.gather [hbm4b:s1+s3], $0x80, v4, vm0, $0xb8;
	[tilespmem:$0x10200] =	vst v63  }
0xbe: {  	s14 =	simm.s32 $0xFA00  }
0xbf: {  	[tilespmem:s14], [sflag:$0x2] =	stream.indirect_vreg.gather [hbm4b:s1+s3], $0x80, v3, vm0, $0xb8;
	[tilespmem:$0x10200] =	vst v63  }
0xc0: {  	_ =	swait.ge [sflag:s2], $0x8000  }
0xc1: {  	[sflag:s2] =	ssyncset.done $0x0  }
0xc2: {  	s12 =	simm.s32 $0x200;
	s14 =	rddreg [dreg:$0x4];
	[sflag:s2] =	ssyncadd.s32 $0xFFFF8000  }
0xc3: {  	[hbm4b:s14+s3] =	stream.linear.scatter [tilespmem:s12], [sflag:$0x3], $0x8000, $0x38;
	[tilespmem:$0x10200] =	vst v63  }
0xc4: {  	_ =	swait.ge [sflag:s5], $0x8000  }
0xc5: {  	[sflag:s5] =	ssyncset.done $0x0  }
0xc6: {  	[sflag:s5] =	ssyncadd.s32 $0xFFFF8000  }
0xc7: {  	v3 =	vld [tilespmem:$0x100];
	_ =	sdelay $0x4  }
0xc8: {  	v48 =	vshll.u32 v3, $0x1  }
0xc9: {  	v3 =	vand.u32 $0x7, v3;
	v4 =	vand.u32 $0xFFFFFFF0, v48  }
0xca: {  	v3 =	vor.u32 v3, v4  }
0xcb: {  	v4 =	vperm.xlane v3, v0;
	_ =	sdelay $0x1  }
0xcc: {  	v3 =	vperm.xlane v3, v2;
	v4 =	vadd.s32 v1, v4;
	_ =	sdelay $0x1  }
0xcd: {  	v3 =	vadd.s32 v1, v3;
	_ =	sdelay $0x2  }
0xce: {  	[tilespmem:s12], [sflag:$0x1] =	stream.indirect_vreg.gather [hbm4b:s1+s3], $0x80, v4, vm0, $0xb8;
	[tilespmem:$0x10200] =	vst v63  }
0xcf: {  	_ = 	snop  }
0xd0: {  	[tilespmem:s15], [sflag:$0x1] =	stream.indirect_vreg.gather [hbm4b:s1+s3], $0x80, v3, vm0, $0xb8;
	[tilespmem:$0x10200] =	vst v63  }
0xd1: {  	v3 =	vld [tilespmem:$0x110];
	_ =	sdelay $0x4  }
0xd2: {  	v49 =	vshll.u32 v3, $0x1  }
0xd3: {  	v3 =	vand.u32 $0x7, v3;
	v4 =	vand.u32 $0xFFFFFFF0, v49  }
0xd4: {  	v3 =	vor.u32 v3, v4  }
0xd5: {  	v4 =	vperm.xlane v3, v0;
	_ =	sdelay $0x1  }
0xd6: {  	v3 =	vperm.xlane v3, v2;
	v4 =	vadd.s32 v1, v4;
	_ =	sdelay $0x1  }
0xd7: {  	v3 =	vadd.s32 v1, v3;
	_ =	sdelay $0x2  }
0xd8: {  	[tilespmem:s16], [sflag:$0x1] =	stream.indirect_vreg.gather [hbm4b:s1+s3], $0x80, v4, vm0, $0xb8;
	[tilespmem:$0x10200] =	vst v63  }
0xd9: {  	_ = 	snop  }
0xda: {  	[tilespmem:s17], [sflag:$0x1] =	stream.indirect_vreg.gather [hbm4b:s1+s3], $0x80, v3, vm0, $0xb8;
	[tilespmem:$0x10200] =	vst v63  }
0xdb: {  	v3 =	vld [tilespmem:$0x120];
	_ =	sdelay $0x4  }
0xdc: {  	v50 =	vshll.u32 v3, $0x1  }
0xdd: {  	v3 =	vand.u32 $0x7, v3;
	v4 =	vand.u32 $0xFFFFFFF0, v50  }
0xde: {  	v3 =	vor.u32 v3, v4  }
0xdf: {  	v4 =	vperm.xlane v3, v0;
	_ =	sdelay $0x1  }
0xe0: {  	v3 =	vperm.xlane v3, v2;
	v4 =	vadd.s32 v1, v4;
	_ =	sdelay $0x1  }
0xe1: {  	v3 =	vadd.s32 v1, v3;
	_ =	sdelay $0x2  }
0xe2: {  	[tilespmem:s18], [sflag:$0x1] =	stream.indirect_vreg.gather [hbm4b:s1+s3], $0x80, v4, vm0, $0xb8;
	[tilespmem:$0x10200] =	vst v63  }
0xe3: {  	_ = 	snop  }
0xe4: {  	[tilespmem:s19], [sflag:$0x1] =	stream.indirect_vreg.gather [hbm4b:s1+s3], $0x80, v3, vm0, $0xb8;
	[tilespmem:$0x10200] =	vst v63  }
0xe5: {  	v3 =	vld [tilespmem:$0x130];
	_ =	sdelay $0x4  }
0xe6: {  	v51 =	vshll.u32 v3, $0x1  }
0xe7: {  	v3 =	vand.u32 $0x7, v3;
	v4 =	vand.u32 $0xFFFFFFF0, v51  }
0xe8: {  	v3 =	vor.u32 v3, v4  }
0xe9: {  	v4 =	vperm.xlane v3, v0;
	_ =	sdelay $0x1  }
0xea: {  	v3 =	vperm.xlane v3, v2;
	v4 =	vadd.s32 v1, v4;
	_ =	sdelay $0x1  }
0xeb: {  	v3 =	vadd.s32 v1, v3;
	_ =	sdelay $0x2  }
0xec: {  	[tilespmem:s20], [sflag:$0x1] =	stream.indirect_vreg.gather [hbm4b:s1+s3], $0x80, v4, vm0, $0xb8;
	[tilespmem:$0x10200] =	vst v63  }
0xed: {  	_ = 	snop  }
0xee: {  	[tilespmem:s21], [sflag:$0x1] =	stream.indirect_vreg.gather [hbm4b:s1+s3], $0x80, v3, vm0, $0xb8;
	[tilespmem:$0x10200] =	vst v63  }
0xef: {  	v3 =	vld [tilespmem:$0x140];
	_ =	sdelay $0x4  }
0xf0: {  	v52 =	vshll.u32 v3, $0x1  }
0xf1: {  	v3 =	vand.u32 $0x7, v3;
	v4 =	vand.u32 $0xFFFFFFF0, v52  }
0xf2: {  	v3 =	vor.u32 v3, v4  }
0xf3: {  	v4 =	vperm.xlane v3, v0;
	_ =	sdelay $0x1  }
0xf4: {  	v3 =	vperm.xlane v3, v2;
	v4 =	vadd.s32 v1, v4;
	_ =	sdelay $0x1  }
0xf5: {  	v3 =	vadd.s32 v1, v3;
	_ =	sdelay $0x2  }
0xf6: {  	[tilespmem:s23], [sflag:$0x1] =	stream.indirect_vreg.gather [hbm4b:s1+s3], $0x80, v4, vm0, $0xb8;
	[tilespmem:$0x10200] =	vst v63  }
0xf7: {  	_ = 	snop  }
0xf8: {  	[tilespmem:s24], [sflag:$0x1] =	stream.indirect_vreg.gather [hbm4b:s1+s3], $0x80, v3, vm0, $0xb8;
	[tilespmem:$0x10200] =	vst v63  }
0xf9: {  	v3 =	vld [tilespmem:$0x150];
	_ =	sdelay $0x4  }
0xfa: {  	v53 =	vshll.u32 v3, $0x1  }
0xfb: {  	v3 =	vand.u32 $0x7, v3;
	v4 =	vand.u32 $0xFFFFFFF0, v53  }
0xfc: {  	v3 =	vor.u32 v3, v4  }
0xfd: {  	v4 =	vperm.xlane v3, v0;
	_ =	sdelay $0x1  }
0xfe: {  	v3 =	vperm.xlane v3, v2;
	v4 =	vadd.s32 v1, v4;
	_ =	sdelay $0x1  }
0xff: {  	v3 =	vadd.s32 v1, v3;
	_ =	sdelay $0x2  }
0x100: {  	[tilespmem:s25], [sflag:$0x1] =	stream.indirect_vreg.gather [hbm4b:s1+s3], $0x80, v4, vm0, $0xb8;
	[tilespmem:$0x10200] =	vst v63  }
0x101: {  	_ = 	snop  }
0x102: {  	[tilespmem:s26], [sflag:$0x1] =	stream.indirect_vreg.gather [hbm4b:s1+s3], $0x80, v3, vm0, $0xb8;
	[tilespmem:$0x10200] =	vst v63  }
0x103: {  	v3 =	vld [tilespmem:$0x160];
	_ =	sdelay $0x4  }
0x104: {  	v54 =	vshll.u32 v3, $0x1  }
0x105: {  	v3 =	vand.u32 $0x7, v3;
	v4 =	vand.u32 $0xFFFFFFF0, v54  }
0x106: {  	v3 =	vor.u32 v3, v4  }
0x107: {  	v4 =	vperm.xlane v3, v0;
	_ =	sdelay $0x1  }
0x108: {  	v3 =	vperm.xlane v3, v2;
	v4 =	vadd.s32 v1, v4;
	_ =	sdelay $0x1  }
0x109: {  	v3 =	vadd.s32 v1, v3;
	_ =	sdelay $0x2  }
0x10a: {  	[tilespmem:s28], [sflag:$0x1] =	stream.indirect_vreg.gather [hbm4b:s1+s3], $0x80, v4, vm0, $0xb8;
	[tilespmem:$0x10200] =	vst v63  }
0x10b: {  	_ = 	snop  }
0x10c: {  	[tilespmem:s29], [sflag:$0x1] =	stream.indirect_vreg.gather [hbm4b:s1+s3], $0x80, v3, vm0, $0xb8;
	[tilespmem:$0x10200] =	vst v63  }
0x10d: {  	v3 =	vld [tilespmem:$0x170];
	_ =	sdelay $0x4  }
0x10e: {  	v55 =	vshll.u32 v3, $0x1  }
0x10f: {  	v3 =	vand.u32 $0x7, v3;
	v4 =	vand.u32 $0xFFFFFFF0, v55  }
0x110: {  	v3 =	vor.u32 v3, v4  }
0x111: {  	v4 =	vperm.xlane v3, v0;
	_ =	sdelay $0x1  }
0x112: {  	v3 =	vperm.xlane v3, v2;
	v4 =	vadd.s32 v1, v4;
	_ =	sdelay $0x1  }
0x113: {  	v3 =	vadd.s32 v1, v3;
	_ =	sdelay $0x2  }
0x114: {  	[tilespmem:s30], [sflag:$0x1] =	stream.indirect_vreg.gather [hbm4b:s1+s3], $0x80, v4, vm0, $0xb8;
	[tilespmem:$0x10200] =	vst v63  }
0x115: {  	_ = 	snop  }
0x116: {  	[tilespmem:s31], [sflag:$0x1] =	stream.indirect_vreg.gather [hbm4b:s1+s3], $0x80, v3, vm0, $0xb8;
	[tilespmem:$0x10200] =	vst v63  }
0x117: {  	_ =	swait.ge [sflag:s13], $0x8000  }
0x118: {  	[sflag:s13] =	ssyncset.done $0x0  }
0x119: {  	s12 =	rddreg [dreg:$0x5];
	[sflag:s13] =	ssyncadd.s32 $0xFFFF8000  }
0x11a: {  	[hbm4b:s12+s3] =	stream.linear.scatter [tilespmem:s0], [sflag:$0x3], $0x8000, $0x38;
	[tilespmem:$0x10200] =	vst v63  }
0x11b: {  	_ =	swait.ge [sflag:s5], $0x8000  }
0x11c: {  	[sflag:s5] =	ssyncset.done $0x0  }
0x11d: {  	[sflag:s5] =	ssyncadd.s32 $0xFFFF8000  }
0x11e: {  	v3 =	vld [tilespmem:$0x180];
	_ =	sdelay $0x4  }
0x11f: {  	v56 =	vshll.u32 v3, $0x1  }
0x120: {  	v3 =	vand.u32 $0x7, v3;
	v4 =	vand.u32 $0xFFFFFFF0, v56  }
0x121: {  	v3 =	vor.u32 v3, v4  }
0x122: {  	v4 =	vperm.xlane v3, v0;
	_ =	sdelay $0x1  }
0x123: {  	v3 =	vperm.xlane v3, v2;
	v4 =	vadd.s32 v1, v4;
	_ =	sdelay $0x1  }
0x124: {  	v3 =	vadd.s32 v1, v3;
	_ =	sdelay $0x2  }
0x125: {  	[tilespmem:s0], [sflag:$0x2] =	stream.indirect_vreg.gather [hbm4b:s1+s3], $0x80, v4, vm0, $0xb8;
	[tilespmem:$0x10200] =	vst v63  }
0x126: {  	_ = 	snop  }
0x127: {  	[tilespmem:s22], [sflag:$0x2] =	stream.indirect_vreg.gather [hbm4b:s1+s3], $0x80, v3, vm0, $0xb8;
	[tilespmem:$0x10200] =	vst v63  }
0x128: {  	v3 =	vld [tilespmem:$0x190];
	_ =	sdelay $0x4  }
0x129: {  	v57 =	vshll.u32 v3, $0x1  }
0x12a: {  	v3 =	vand.u32 $0x7, v3;
	v4 =	vand.u32 $0xFFFFFFF0, v57  }
0x12b: {  	v3 =	vor.u32 v3, v4  }
0x12c: {  	v4 =	vperm.xlane v3, v0;
	_ =	sdelay $0x1  }
0x12d: {  	v3 =	vperm.xlane v3, v2;
	v4 =	vadd.s32 v1, v4;
	_ =	sdelay $0x1  }
0x12e: {  	v3 =	vadd.s32 v1, v3;
	_ =	sdelay $0x1  }
0x12f: {  	s14 =	simm.s32 $0x9200  }
0x130: {  	[tilespmem:s14], [sflag:$0x2] =	stream.indirect_vreg.gather [hbm4b:s1+s3], $0x80, v4, vm0, $0xb8;
	[tilespmem:$0x10200] =	vst v63  }
0x131: {  	_ = 	snop  }
0x132: {  	[tilespmem:s7], [sflag:$0x2] =	stream.indirect_vreg.gather [hbm4b:s1+s3], $0x80, v3, vm0, $0xb8;
	[tilespmem:$0x10200] =	vst v63  }
0x133: {  	v3 =	vld [tilespmem:$0x1A0];
	_ =	sdelay $0x4  }
0x134: {  	v58 =	vshll.u32 v3, $0x1  }
0x135: {  	v3 =	vand.u32 $0x7, v3;
	v4 =	vand.u32 $0xFFFFFFF0, v58  }
0x136: {  	v3 =	vor.u32 v3, v4  }
0x137: {  	v4 =	vperm.xlane v3, v0;
	_ =	sdelay $0x1  }
0x138: {  	v3 =	vperm.xlane v3, v2;
	v4 =	vadd.s32 v1, v4;
	_ =	sdelay $0x1  }
0x139: {  	v3 =	vadd.s32 v1, v3;
	_ =	sdelay $0x2  }
0x13a: {  	[tilespmem:s8], [sflag:$0x2] =	stream.indirect_vreg.gather [hbm4b:s1+s3], $0x80, v4, vm0, $0xb8;
	[tilespmem:$0x10200] =	vst v63  }
0x13b: {  	_ = 	snop  }
0x13c: {  	[tilespmem:s9], [sflag:$0x2] =	stream.indirect_vreg.gather [hbm4b:s1+s3], $0x80, v3, vm0, $0xb8;
	[tilespmem:$0x10200] =	vst v63  }
0x13d: {  	v3 =	vld [tilespmem:$0x1B0];
	_ =	sdelay $0x4  }
0x13e: {  	v59 =	vshll.u32 v3, $0x1  }
0x13f: {  	v3 =	vand.u32 $0x7, v3;
	v4 =	vand.u32 $0xFFFFFFF0, v59  }
0x140: {  	v3 =	vor.u32 v3, v4  }
0x141: {  	v4 =	vperm.xlane v3, v0;
	_ =	sdelay $0x1  }
0x142: {  	v3 =	vperm.xlane v3, v2;
	v4 =	vadd.s32 v1, v4;
	_ =	sdelay $0x1  }
0x143: {  	v3 =	vadd.s32 v1, v3;
	_ =	sdelay $0x2  }
0x144: {  	[tilespmem:s10], [sflag:$0x2] =	stream.indirect_vreg.gather [hbm4b:s1+s3], $0x80, v4, vm0, $0xb8;
	[tilespmem:$0x10200] =	vst v63  }
0x145: {  	_ = 	snop  }
0x146: {  	[tilespmem:s11], [sflag:$0x2] =	stream.indirect_vreg.gather [hbm4b:s1+s3], $0x80, v3, vm0, $0xb8;
	[tilespmem:$0x10200] =	vst v63  }
0x147: {  	v3 =	vld [tilespmem:$0x1C0];
	_ =	sdelay $0x4  }
0x148: {  	v60 =	vshll.u32 v3, $0x1  }
0x149: {  	v3 =	vand.u32 $0x7, v3;
	v4 =	vand.u32 $0xFFFFFFF0, v60  }
0x14a: {  	v3 =	vor.u32 v3, v4  }
0x14b: {  	v4 =	vperm.xlane v3, v0;
	_ =	sdelay $0x1  }
0x14c: {  	v3 =	vperm.xlane v3, v2;
	v4 =	vadd.s32 v1, v4;
	_ =	sdelay $0x1  }
0x14d: {  	v3 =	vadd.s32 v1, v3;
	_ =	sdelay $0x2  }
0x14e: {  	[tilespmem:s6], [sflag:$0x2] =	stream.indirect_vreg.gather [hbm4b:s1+s3], $0x80, v4, vm0, $0xb8;
	[tilespmem:$0x10200] =	vst v63  }
0x14f: {  	s14 =	simm.s32 $0xCA00  }
0x150: {  	[tilespmem:s14], [sflag:$0x2] =	stream.indirect_vreg.gather [hbm4b:s1+s3], $0x80, v3, vm0, $0xb8;
	[tilespmem:$0x10200] =	vst v63  }
0x151: {  	v3 =	vld [tilespmem:$0x1D0];
	_ =	sdelay $0x4  }
0x152: {  	v61 =	vshll.u32 v3, $0x1  }
0x153: {  	v3 =	vand.u32 $0x7, v3;
	v4 =	vand.u32 $0xFFFFFFF0, v61  }
0x154: {  	v3 =	vor.u32 v3, v4  }
0x155: {  	v4 =	vperm.xlane v3, v0;
	_ =	sdelay $0x1  }
0x156: {  	v3 =	vperm.xlane v3, v2;
	v4 =	vadd.s32 v1, v4;
	_ =	sdelay $0x1  }
0x157: {  	v3 =	vadd.s32 v1, v3;
	_ =	sdelay $0x1  }
0x158: {  	s12 =	simm.s32 $0xD200  }
0x159: {  	[tilespmem:s12], [sflag:$0x2] =	stream.indirect_vreg.gather [hbm4b:s1+s3], $0x80, v4, vm0, $0xb8;
	[tilespmem:$0x10200] =	vst v63  }
0x15a: {  	s14 =	simm.s32 $0xDA00  }
0x15b: {  	[tilespmem:s14], [sflag:$0x2] =	stream.indirect_vreg.gather [hbm4b:s1+s3], $0x80, v3, vm0, $0xb8;
	[tilespmem:$0x10200] =	vst v63  }
0x15c: {  	v3 =	vld [tilespmem:$0x1E0];
	_ =	sdelay $0x4  }
0x15d: {  	v62 =	vshll.u32 v3, $0x1  }
0x15e: {  	v3 =	vand.u32 $0x7, v3;
	v4 =	vand.u32 $0xFFFFFFF0, v62  }
0x15f: {  	v3 =	vor.u32 v3, v4  }
0x160: {  	v4 =	vperm.xlane v3, v0;
	_ =	sdelay $0x1  }
0x161: {  	v3 =	vperm.xlane v3, v2;
	v4 =	vadd.s32 v1, v4;
	_ =	sdelay $0x1  }
0x162: {  	v3 =	vadd.s32 v1, v3;
	_ =	sdelay $0x1  }
0x163: {  	s12 =	simm.s32 $0xE200  }
0x164: {  	[tilespmem:s12], [sflag:$0x2] =	stream.indirect_vreg.gather [hbm4b:s1+s3], $0x80, v4, vm0, $0xb8;
	[tilespmem:$0x10200] =	vst v63  }
0x165: {  	s14 =	simm.s32 $0xEA00  }
0x166: {  	[tilespmem:s14], [sflag:$0x2] =	stream.indirect_vreg.gather [hbm4b:s1+s3], $0x80, v3, vm0, $0xb8;
	[tilespmem:$0x10200] =	vst v63  }
0x167: {  	v3 =	vld [tilespmem:$0x1F0];
	_ =	sdelay $0x4  }
0x168: {  	v63 =	vshll.u32 v3, $0x1  }
0x169: {  	v3 =	vand.u32 $0x7, v3;
	v4 =	vand.u32 $0xFFFFFFF0, v63  }
0x16a: {  	v3 =	vor.u32 v3, v4  }
0x16b: {  	v4 =	vperm.xlane v3, v0;
	_ =	sdelay $0x1  }
0x16c: {  	v3 =	vperm.xlane v3, v2;
	v4 =	vadd.s32 v1, v4;
	_ =	sdelay $0x1  }
0x16d: {  	v3 =	vadd.s32 v1, v3;
	_ =	sdelay $0x1  }
0x16e: {  	s12 =	simm.s32 $0xF200  }
0x16f: {  	[tilespmem:s12], [sflag:$0x2] =	stream.indirect_vreg.gather [hbm4b:s1+s3], $0x80, v4, vm0, $0xb8;
	[tilespmem:$0x10200] =	vst v63  }
0x170: {  	s14 =	simm.s32 $0xFA00  }
0x171: {  	[tilespmem:s14], [sflag:$0x2] =	stream.indirect_vreg.gather [hbm4b:s1+s3], $0x80, v3, vm0, $0xb8;
	[tilespmem:$0x10200] =	vst v63  }
0x172: {  	_ =	swait.ge [sflag:s2], $0x8000  }
0x173: {  	[sflag:s2] =	ssyncset.done $0x0  }
0x174: {  	s12 =	simm.s32 $0x200;
	s6 =	rddreg [dreg:$0x6];
	[sflag:s2] =	ssyncadd.s32 $0xFFFF8000  }
0x175: {  	[hbm4b:s6+s3] =	stream.linear.scatter [tilespmem:s12], [sflag:$0x3], $0x8000, $0x38;
	[tilespmem:$0x10200] =	vst v63  }
0x176: {  	_ =	swait.ge [sflag:s5], $0x8000  }
0x177: {  	[sflag:s5] =	ssyncset.done $0x0  }
0x178: {  	[sflag:s5] =	ssyncadd.s32 $0xFFFF8000  }
0x179: {  	_ =	swait.ge [sflag:s13], $0x8000  }
0x17a: {  	p0 =	sne.s32 s4, $0x1;
	[sflag:s13] =	ssyncset.done $0x0  }
.Ltmp0:
0x17b: {  	s12 =	rddreg [dreg:$0x7];
	[sflag:s13] =	ssyncadd.s32 $0xFFFF8000;
	(pc) =	sbr.rel @p0 .LBB2_1-.Ltmp0, $4  }
0x17c: {  	[hbm4b:s12+s3] =	stream.linear.scatter [tilespmem:s0], [sflag:$0x3], $0x8000, $0x38;
	[tilespmem:$0x10200] =	vst v63  }
0x17d: {  	_ =	swait.ge [sflag:s5], $0x8000  }
0x17e: {  	[sflag:s5] =	ssyncset.done $0x0  }
0x17f: {  	s4 =	sadd.s32 $0xFFFFFFFF, s4;
	[sflag:s5] =	ssyncadd.s32 $0xFFFF8000  }
0x180: {  	_ =	sfence.sel $0x180000  }
0x181: {  	[bflag:$0x0] =	sbarrier.arrive $0xFFFF  }
0x182: {  	_ =	strace $0x90000047  }
0x183: {  	s0 =	stileid.u32;
	[bflag:$0x2] =	sbarrier.arrive $0xFFFF  }
0x184: {  	p0 =	sne.s32 s0, $0x0;
	s0 =	rddreg [dreg:$0x2]  }
0x185: {  	s0 =	sadd.s32 @!p0 $0x100000, s0  }
0x186: {  	[sflag:s0] =	ssyncadd.tile.s32 @!p0 $0x1;
	_ =	shalt  }
.Lfunc_end2:
_tile_overlayer_lowered:
.L_overlay_start_2:
0x187: {  	(tag) =	ssettag $0x2  }
0x188: {  	s0 =	rddreg [dreg:$0x0];
	s2 =	stileid.u32  }
0x189: {  	s1 =	rddreg [dreg:$0x1];
	p0 =	sne.s32 s2, $0x0  }
0x18a: {  	s3 =	rddreg [dreg:$0x2];
	[bflag:$0x3] =	sbarrier.arrive $0xFFFF;
	s2 =	simm.s32 @!p0 $0x1C03  }
0x18b: {  	[timem:s3], [sflag:s2] =	dma.local @!p0 [hbm:s0], s1  }
0x18c: {  	s0 =	simm.s32 @!p0 $0x3  }
0x18d: {  	_ =	swait.ge @!p0 [sflag:s0], s1  }
0x18e: {  	s1 =	ssub.s32 @!p0 $0x0, s1;
	[sflag:s0] =	ssyncset.done @!p0 $0x0  }
0x18f: {  	[sflag:s0] =	ssyncadd.s32 @!p0 s1  }
0x190: {  	[bflag:$0x3] =	sbarrier.arrive $0xFFFF  }
0x191: {  	_ =	shalt  }

</sc_bundles>
